<compile_context>
chip_gen: v7x
topology: tpu7x:2x2x1
jax: 0.10.2.dev20260603
libtpu: 0.0.44.dev20260713+nightly
codegen_flags: <defaults>
</compile_context>

<pallas_src>
import functools

import jax
import jax.numpy as jnp
from jax import lax
from jax.experimental import pallas as pl
from jax.experimental.pallas import tpu as pltpu
from jax.experimental.pallas import tpu_sc as plsc

NE = 8192
D = 256
NT = 8192
TT = 256
G = NT // TT
COMMIT_W = 0.25

_NW = 32
_BPW = NT // _NW
_CH = 64
_L = 16


def _vq_body(x_ref, w_ref, se_ref, enc_ref, idx_ref, idx_s):
    t = pl.program_id(0)

    @pl.when(t > 0)
    def _():
        iota_row = jax.lax.broadcasted_iota(jnp.int32, (1, NE), 1)
        full = (iota_row == idx_s[...]).astype(jnp.float32)
        enc_ref[...] = full[:8, :]

    @pl.when(t < G)
    def _():
        xr = x_ref[...]
        mm2 = jnp.dot(xr * 2.0, w_ref[...].T,
                      preferred_element_type=jnp.float32)
        sxc = jnp.sum(xr * xr, axis=1, keepdims=True)
        d = (sxc + se_ref[...]) - mm2
        idx = jnp.argmin(d, axis=1, keepdims=True).astype(jnp.int32)
        idx_ref[...] = jnp.transpose(idx, (1, 0)).reshape(1, 1, TT)
        idx_s[...] = idx


@functools.partial(
    pl.kernel,
    mesh=plsc.VectorSubcoreMesh(core_axis_name="c", subcore_axis_name="s"),
    out_type=[
        jax.ShapeDtypeStruct((NT, D), jnp.float32),
        jax.ShapeDtypeStruct((_NW, _L), jnp.float32),
    ],
    scratch_types=[
        pltpu.VMEM((_BPW,), jnp.int32),
        pltpu.VMEM((2, _CH, D), jnp.float32),
        pltpu.VMEM((2, _CH, D), jnp.float32),
        pltpu.VMEM((_L,), jnp.float32),
        pltpu.SemaphoreType.DMA,
        pltpu.SemaphoreType.DMA,
        pltpu.SemaphoreType.DMA,
        pltpu.SemaphoreType.DMA,
    ],
)
def _sc_gather_loss(table_hbm, idx_hbm, x_hbm, out_hbm, losspart_hbm,
                    idx_v, rows_v, x_v, acc_v, gs0, gs1, xs0, xs1):
    wid = lax.axis_index("s") * 2 + lax.axis_index("c")
    base = wid * _BPW
    nch = _BPW // _CH
    gsems = [gs0, gs1]
    xsems = [xs0, xs1]
    pltpu.sync_copy(idx_hbm.at[wid, 0], idx_v)

    def start(b):
        buf = b % 2
        g = pltpu.async_copy(table_hbm.at[idx_v.at[pl.ds(b * _CH, _CH)]],
                             rows_v.at[buf], gsems[buf])
        xc = pltpu.async_copy(x_hbm.at[pl.ds(base + b * _CH, _CH)],
                              x_v.at[buf], xsems[buf])
        return g, xc

    acc = jnp.zeros((_L,), jnp.float32)
    pend = start(0)
    for b in range(nch):
        buf = b % 2
        pend[0].wait()
        pend[1].wait()
        if b + 1 < nch:
            pend = start(b + 1)

        def body(r, carry):
            parts = []
            for k in range(D // _L):
                dv = (rows_v[buf, r, pl.ds(k * _L, _L)]
                      - x_v[buf, r, pl.ds(k * _L, _L)])
                parts.append(dv * dv)
            while len(parts) > 1:
                parts = [parts[i] + parts[i + 1]
                         for i in range(0, len(parts), 2)]
            return carry + parts[0]

        acc = lax.fori_loop(0, _CH, body, acc)
        pltpu.sync_copy(rows_v.at[buf], out_hbm.at[pl.ds(base + b * _CH, _CH)])
    acc_v[...] = acc
    pltpu.sync_copy(acc_v, losspart_hbm.at[wid])


def kernel(x, embedding_weight):
    xp = jnp.transpose(x, (0, 2, 3, 1))
    flat_x = xp.reshape(NT, D)
    se = jnp.sum(embedding_weight ** 2, axis=1)[None, :]

    enc, idx = pl.pallas_call(
        _vq_body,
        grid=(G + 1,),
        in_specs=[
            pl.BlockSpec((TT, D), lambda t: (jnp.minimum(t, G - 1), 0)),
            pl.BlockSpec((NE, D), lambda t: (0, 0)),
            pl.BlockSpec((1, NE), lambda t: (0, 0)),
        ],
        out_specs=[
            pl.BlockSpec((8, NE), lambda t: (jnp.maximum(t - 1, 0), 0)),
            pl.BlockSpec((1, 1, TT), lambda t: (t, 0, 0)),
        ],
        out_shape=[
            jax.ShapeDtypeStruct(((G + 1) * 8, NE), jnp.float32),
            jax.ShapeDtypeStruct((G + 1, 1, TT), jnp.int32),
        ],
        scratch_shapes=[pltpu.VMEM((TT, 1), jnp.int32)],
    )(flat_x, embedding_weight, se)

    qf, losspart = _sc_gather_loss(embedding_weight, idx, flat_x)

    loss = COMMIT_W * (jnp.sum(losspart) / (NT * D))
    quantized = jnp.transpose(qf.reshape(8, 32, 32, D), (0, 3, 1, 2))
    return (loss, quantized, enc)

# --- scband reference (transcript-rebuilt; emitter-appended) ---
"""Pipeline reference for scband-ema-vq-72318659330154 (READ-ONLY COPY).

The authoritative reference and input builder live on the scoring server;
editing this copy changes nothing except your own understanding.
"""

import jax, jax.numpy as jnp
import numpy as np

NUM_EMBEDDINGS = 8192
EMBEDDING_DIM = 256
COMMITMENT_WEIGHT = 0.25


def setup_inputs(seed: int = 0) -> dict:
    key = jax.random.key(seed)
    k1, k2 = jax.random.split(key)
    x = jax.random.normal(k1, (8, 256, 32, 32), dtype=jnp.float32)
    embedding_weight = jax.random.normal(k2, (NUM_EMBEDDINGS, EMBEDDING_DIM), dtype=jnp.float32)
    return {"x": x, "embedding_weight": embedding_weight}


def reference(x, embedding_weight):
    # x: [B, C, H, W] -> [B, H, W, C]
    xp = jnp.transpose(x, (0, 2, 3, 1))
    flat_x = xp.reshape(-1, EMBEDDING_DIM)
    distances = (
        jnp.sum(flat_x ** 2, axis=1, keepdims=True)
        + jnp.sum(embedding_weight ** 2, axis=1)
        - 2.0 * jnp.matmul(flat_x, embedding_weight.T)
    )
    encoding_indices = jnp.argmin(distances, axis=1)
    encodings = jax.nn.one_hot(encoding_indices, NUM_EMBEDDINGS, dtype=jnp.float32)
    quantized = jnp.matmul(encodings, embedding_weight).reshape(xp.shape)
    # Note: EMA buffer updates in the torch module happen AFTER quantized/loss are
    # computed and do not affect this call's outputs, so they are omitted here.
    e_latent_loss = jnp.mean((jax.lax.stop_gradient(quantized) - xp) ** 2)
    loss = COMMITMENT_WEIGHT * e_latent_loss
    quantized_st = xp + jax.lax.stop_gradient(quantized - xp)
    return (loss, jnp.transpose(quantized_st, (0, 3, 1, 2)), encodings)

if __name__ == "__main__":
    import jax
    _d = setup_inputs()
    print(jax.jit(kernel)(*tuple(_d.values())))

</pallas_src>

<mosaic_0001>
#map = affine_map<(d0, d1) -> (0, 0)>
#map1 = affine_map<(d0, d1) -> (0, 0, 0)>
module attributes {stable_mosaic.version = 14 : i64} {
  func.func @_sc_gather_loss(%arg0: i32, %arg1: i32, %arg2: memref<8192x256xf32, #tpu.memory_space<hbm>>, %arg3: memref<33x1x256xi32, #tpu.memory_space<hbm>>, %arg4: memref<8192x256xf32, #tpu.memory_space<hbm>>, %arg5: memref<8192x256xf32, #tpu.memory_space<hbm>>, %arg6: memref<32x16xf32, #tpu.memory_space<hbm>>, %arg7: memref<256xi32, #tpu.memory_space<vmem>>, %arg8: memref<2x64x256xf32, #tpu.memory_space<vmem>>, %arg9: memref<2x64x256xf32, #tpu.memory_space<vmem>>, %arg10: memref<16xf32, #tpu.memory_space<vmem>>, %arg11: memref<!tpu.dma_semaphore, #tpu.memory_space<semaphore_mem>>, %arg12: memref<!tpu.dma_semaphore, #tpu.memory_space<semaphore_mem>>, %arg13: memref<!tpu.dma_semaphore, #tpu.memory_space<semaphore_mem>>, %arg14: memref<!tpu.dma_semaphore, #tpu.memory_space<semaphore_mem>>) attributes {dimension_semantics = [#tpu.dimension_semantics<core_parallel>, #tpu.dimension_semantics<subcore_parallel>], iteration_bounds = array<i64: 2, 16>, scalar_prefetch = 0 : i64, scratch_operands = 8 : i64, tpu.core_type = #tpu.core_type<sc_vector_subcore>, window_params = [{transform_indices = #map}, {transform_indices = #map1}, {transform_indices = #map}, {transform_indices = #map}, {transform_indices = #map}]} {
    %mul3A = arith.constant 2 : i32
    %mul3A_0 = arith.muli %arg1, %mul3A : i32
    %add3A = arith.addi %mul3A_0, %arg0 : i32
    %mul3A_1 = arith.constant 256 : i32
    %mul3A_2 = arith.muli %add3A, %mul3A_1 : i32
    %run_scoped3A = arith.constant 0 : i32
    "tpu.region"() ({
      %run_scoped3A_232 = tpu.sem_alloc : memref<!tpu.dma_semaphore, #tpu.memory_space<semaphore_mem>>
      %dma_start3A_233 = arith.constant 0 : i32
      %dma_start3A_234 = tpu.memref_slice %arg3[%add3A, %run_scoped3A, %dma_start3A_233] : memref<33x1x256xi32, #tpu.memory_space<hbm>> -> memref<1x1x256xi32, #tpu.memory_space<hbm>>
      %dma_start3A_235 = tpu.memref_squeeze %dma_start3A_234 : memref<1x1x256xi32, #tpu.memory_space<hbm>> -> memref<256xi32, #tpu.memory_space<hbm>>
      %dma_start3A_236 = arith.constant 0 : i32
      %dma_start3A_237 = tpu.memref_slice %arg3[%add3A, %run_scoped3A, %dma_start3A_236] : memref<33x1x256xi32, #tpu.memory_space<hbm>> -> memref<1x1x256xi32, #tpu.memory_space<hbm>>
      %dma_start3A_238 = tpu.memref_squeeze %dma_start3A_237 : memref<1x1x256xi32, #tpu.memory_space<hbm>> -> memref<256xi32, #tpu.memory_space<hbm>>
      tpu.enqueue_dma source(%dma_start3A_238 : memref<256xi32, #tpu.memory_space<hbm>>) target(%arg7 : memref<256xi32, #tpu.memory_space<vmem>>) target_semaphore(%run_scoped3A_232 : memref<!tpu.dma_semaphore, #tpu.memory_space<semaphore_mem>>)
      %dma_wait3A_239 = arith.constant 0 : i32
      %dma_wait3A_240 = tpu.memref_slice %arg3[%add3A, %run_scoped3A, %dma_wait3A_239] : memref<33x1x256xi32, #tpu.memory_space<hbm>> -> memref<1x1x256xi32, #tpu.memory_space<hbm>>
      %dma_wait3A_241 = tpu.memref_squeeze %dma_wait3A_240 : memref<1x1x256xi32, #tpu.memory_space<hbm>> -> memref<256xi32, #tpu.memory_space<hbm>>
      %dma_wait3A_242 = arith.constant 0 : i32
      %dma_wait3A_243 = tpu.memref_slice %arg3[%add3A, %run_scoped3A, %dma_wait3A_242] : memref<33x1x256xi32, #tpu.memory_space<hbm>> -> memref<1x1x256xi32, #tpu.memory_space<hbm>>
      %dma_wait3A_244 = tpu.memref_squeeze %dma_wait3A_243 : memref<1x1x256xi32, #tpu.memory_space<hbm>> -> memref<256xi32, #tpu.memory_space<hbm>>
      tpu.wait_dma2 semaphore(%run_scoped3A_232 : memref<!tpu.dma_semaphore, #tpu.memory_space<semaphore_mem>>) src(%dma_wait3A_244 : memref<256xi32, #tpu.memory_space<hbm>>) dst(%arg7 : memref<256xi32, #tpu.memory_space<vmem>>)
      tpu.yield
    }) : () -> ()
    %broadcast_in_dim3A = arith.constant 0.000000e+00 : f32
    %broadcast_in_dim3A_3 = vector.broadcast %broadcast_in_dim3A : f32 to vector<16xf32>
    %dma_start3A = arith.constant 0 : i32
    %dma_start3A_4 = arith.constant 0 : i32
    %dma_start3A_5 = arith.constant 0 : i32
    %dma_start3A_6 = tpu.memref_slice %arg8[%dma_start3A, %dma_start3A_4, %dma_start3A_5] : memref<2x64x256xf32, #tpu.memory_space<vmem>> -> memref<1x64x256xf32, #tpu.memory_space<vmem>>
    %dma_start3A_7 = tpu.memref_squeeze %dma_start3A_6 : memref<1x64x256xf32, #tpu.memory_space<vmem>> -> memref<64x256xf32, #tpu.memory_space<vmem>>
    %dma_start3A_8 = arith.constant 0 : i32
    %dma_start3A_9 = tpu.memref_slice %arg7[%dma_start3A_8] : memref<256xi32, #tpu.memory_space<vmem>> -> memref<64xi32, #tpu.memory_space<vmem>>
    %dma_start3A_10 = arith.constant 0 : i32
    %dma_start3A_11 = arith.constant 0 : i32
    %dma_start3A_12 = tpu.memref_slice %arg2[%dma_start3A_10, %dma_start3A_11] : memref<8192x256xf32, #tpu.memory_space<hbm>> -> memref<8192x256xf32, #tpu.memory_space<hbm>>
    tpu.enqueue_indirect_dma source(%dma_start3A_12 : memref<8192x256xf32, #tpu.memory_space<hbm>>) target(%dma_start3A_7 : memref<64x256xf32, #tpu.memory_space<vmem>>) offsets(%dma_start3A_9 : memref<64xi32, #tpu.memory_space<vmem>>) semaphore(%arg11 : memref<!tpu.dma_semaphore, #tpu.memory_space<semaphore_mem>>)
    %add3A_13 = arith.constant 0 : i32
    %add3A_14 = arith.addi %mul3A_2, %add3A_13 : i32
    %dma_start3A_15 = arith.constant 0 : i32
    %dma_start3A_16 = arith.constant 0 : i32
    %dma_start3A_17 = arith.constant 0 : i32
    %dma_start3A_18 = tpu.memref_slice %arg9[%dma_start3A_15, %dma_start3A_16, %dma_start3A_17] : memref<2x64x256xf32, #tpu.memory_space<vmem>> -> memref<1x64x256xf32, #tpu.memory_space<vmem>>
    %dma_start3A_19 = tpu.memref_squeeze %dma_start3A_18 : memref<1x64x256xf32, #tpu.memory_space<vmem>> -> memref<64x256xf32, #tpu.memory_space<vmem>>
    %dma_start3A_20 = arith.constant 0 : i32
    %dma_start3A_21 = tpu.memref_slice %arg4[%add3A_14, %dma_start3A_20] : memref<8192x256xf32, #tpu.memory_space<hbm>> -> memref<64x256xf32, #tpu.memory_space<hbm>>
    %dma_start3A_22 = arith.constant 0 : i32
    %dma_start3A_23 = arith.constant 0 : i32
    %dma_start3A_24 = tpu.memref_slice %arg9[%dma_start3A_15, %dma_start3A_22, %dma_start3A_23] : memref<2x64x256xf32, #tpu.memory_space<vmem>> -> memref<1x64x256xf32, #tpu.memory_space<vmem>>
    %dma_start3A_25 = tpu.memref_squeeze %dma_start3A_24 : memref<1x64x256xf32, #tpu.memory_space<vmem>> -> memref<64x256xf32, #tpu.memory_space<vmem>>
    %dma_start3A_26 = arith.constant 0 : i32
    %dma_start3A_27 = tpu.memref_slice %arg4[%add3A_14, %dma_start3A_26] : memref<8192x256xf32, #tpu.memory_space<hbm>> -> memref<64x256xf32, #tpu.memory_space<hbm>>
    tpu.enqueue_dma source(%dma_start3A_27 : memref<64x256xf32, #tpu.memory_space<hbm>>) target(%dma_start3A_25 : memref<64x256xf32, #tpu.memory_space<vmem>>) target_semaphore(%arg13 : memref<!tpu.dma_semaphore, #tpu.memory_space<semaphore_mem>>)
    %dma_wait3A = arith.constant 0 : i32
    %dma_wait3A_28 = arith.constant 0 : i32
    %dma_wait3A_29 = arith.constant 0 : i32
    %dma_wait3A_30 = tpu.memref_slice %arg8[%dma_wait3A, %dma_wait3A_28, %dma_wait3A_29] : memref<2x64x256xf32, #tpu.memory_space<vmem>> -> memref<1x64x256xf32, #tpu.memory_space<vmem>>
    %dma_wait3A_31 = tpu.memref_squeeze %dma_wait3A_30 : memref<1x64x256xf32, #tpu.memory_space<vmem>> -> memref<64x256xf32, #tpu.memory_space<vmem>>
    %dma_wait3A_32 = arith.constant 0 : i32
    %dma_wait3A_33 = tpu.memref_slice %arg7[%dma_wait3A_32] : memref<256xi32, #tpu.memory_space<vmem>> -> memref<64xi32, #tpu.memory_space<vmem>>
    %dma_wait3A_34 = arith.constant 0 : i32
    %dma_wait3A_35 = arith.constant 0 : i32
    %dma_wait3A_36 = tpu.memref_slice %arg2[%dma_wait3A_34, %dma_wait3A_35] : memref<8192x256xf32, #tpu.memory_space<hbm>> -> memref<8192x256xf32, #tpu.memory_space<hbm>>
    tpu.wait_indirect_dma semaphore(%arg11 : memref<!tpu.dma_semaphore, #tpu.memory_space<semaphore_mem>>) src(%dma_wait3A_36 : memref<8192x256xf32, #tpu.memory_space<hbm>>) dst(%dma_wait3A_31 : memref<64x256xf32, #tpu.memory_space<vmem>>)
    %dma_wait3A_37 = arith.constant 0 : i32
    %dma_wait3A_38 = arith.constant 0 : i32
    %dma_wait3A_39 = arith.constant 0 : i32
    %dma_wait3A_40 = tpu.memref_slice %arg9[%dma_wait3A_37, %dma_wait3A_38, %dma_wait3A_39] : memref<2x64x256xf32, #tpu.memory_space<vmem>> -> memref<1x64x256xf32, #tpu.memory_space<vmem>>
    %dma_wait3A_41 = tpu.memref_squeeze %dma_wait3A_40 : memref<1x64x256xf32, #tpu.memory_space<vmem>> -> memref<64x256xf32, #tpu.memory_space<vmem>>
    %dma_wait3A_42 = arith.constant 0 : i32
    %dma_wait3A_43 = tpu.memref_slice %arg4[%add3A_14, %dma_wait3A_42] : memref<8192x256xf32, #tpu.memory_space<hbm>> -> memref<64x256xf32, #tpu.memory_space<hbm>>
    %dma_wait3A_44 = arith.constant 0 : i32
    %dma_wait3A_45 = arith.constant 0 : i32
    %dma_wait3A_46 = tpu.memref_slice %arg9[%dma_wait3A_37, %dma_wait3A_44, %dma_wait3A_45] : memref<2x64x256xf32, #tpu.memory_space<vmem>> -> memref<1x64x256xf32, #tpu.memory_space<vmem>>
    %dma_wait3A_47 = tpu.memref_squeeze %dma_wait3A_46 : memref<1x64x256xf32, #tpu.memory_space<vmem>> -> memref<64x256xf32, #tpu.memory_space<vmem>>
    %dma_wait3A_48 = arith.constant 0 : i32
    %dma_wait3A_49 = tpu.memref_slice %arg4[%add3A_14, %dma_wait3A_48] : memref<8192x256xf32, #tpu.memory_space<hbm>> -> memref<64x256xf32, #tpu.memory_space<hbm>>
    tpu.wait_dma2 semaphore(%arg13 : memref<!tpu.dma_semaphore, #tpu.memory_space<semaphore_mem>>) src(%dma_wait3A_49 : memref<64x256xf32, #tpu.memory_space<hbm>>) dst(%dma_wait3A_47 : memref<64x256xf32, #tpu.memory_space<vmem>>)
    %dma_start3A_50 = arith.constant 1 : i32
    %dma_start3A_51 = arith.constant 0 : i32
    %dma_start3A_52 = arith.constant 0 : i32
    %dma_start3A_53 = tpu.memref_slice %arg8[%dma_start3A_50, %dma_start3A_51, %dma_start3A_52] : memref<2x64x256xf32, #tpu.memory_space<vmem>> -> memref<1x64x256xf32, #tpu.memory_space<vmem>>
    %dma_start3A_54 = tpu.memref_squeeze %dma_start3A_53 : memref<1x64x256xf32, #tpu.memory_space<vmem>> -> memref<64x256xf32, #tpu.memory_space<vmem>>
    %dma_start3A_55 = arith.constant 64 : i32
    %dma_start3A_56 = tpu.memref_slice %arg7[%dma_start3A_55] : memref<256xi32, #tpu.memory_space<vmem>> -> memref<64xi32, #tpu.memory_space<vmem>>
    %dma_start3A_57 = arith.constant 0 : i32
    %dma_start3A_58 = arith.constant 0 : i32
    %dma_start3A_59 = tpu.memref_slice %arg2[%dma_start3A_57, %dma_start3A_58] : memref<8192x256xf32, #tpu.memory_space<hbm>> -> memref<8192x256xf32, #tpu.memory_space<hbm>>
    tpu.enqueue_indirect_dma source(%dma_start3A_59 : memref<8192x256xf32, #tpu.memory_space<hbm>>) target(%dma_start3A_54 : memref<64x256xf32, #tpu.memory_space<vmem>>) offsets(%dma_start3A_56 : memref<64xi32, #tpu.memory_space<vmem>>) semaphore(%arg12 : memref<!tpu.dma_semaphore, #tpu.memory_space<semaphore_mem>>)
    %add3A_60 = arith.constant 64 : i32
    %add3A_61 = arith.addi %mul3A_2, %add3A_60 : i32
    %dma_start3A_62 = arith.constant 1 : i32
    %dma_start3A_63 = arith.constant 0 : i32
    %dma_start3A_64 = arith.constant 0 : i32
    %dma_start3A_65 = tpu.memref_slice %arg9[%dma_start3A_62, %dma_start3A_63, %dma_start3A_64] : memref<2x64x256xf32, #tpu.memory_space<vmem>> -> memref<1x64x256xf32, #tpu.memory_space<vmem>>
    %dma_start3A_66 = tpu.memref_squeeze %dma_start3A_65 : memref<1x64x256xf32, #tpu.memory_space<vmem>> -> memref<64x256xf32, #tpu.memory_space<vmem>>
    %dma_start3A_67 = arith.constant 0 : i32
    %dma_start3A_68 = tpu.memref_slice %arg4[%add3A_61, %dma_start3A_67] : memref<8192x256xf32, #tpu.memory_space<hbm>> -> memref<64x256xf32, #tpu.memory_space<hbm>>
    %dma_start3A_69 = arith.constant 0 : i32
    %dma_start3A_70 = arith.constant 0 : i32
    %dma_start3A_71 = tpu.memref_slice %arg9[%dma_start3A_62, %dma_start3A_69, %dma_start3A_70] : memref<2x64x256xf32, #tpu.memory_space<vmem>> -> memref<1x64x256xf32, #tpu.memory_space<vmem>>
    %dma_start3A_72 = tpu.memref_squeeze %dma_start3A_71 : memref<1x64x256xf32, #tpu.memory_space<vmem>> -> memref<64x256xf32, #tpu.memory_space<vmem>>
    %dma_start3A_73 = arith.constant 0 : i32
    %dma_start3A_74 = tpu.memref_slice %arg4[%add3A_61, %dma_start3A_73] : memref<8192x256xf32, #tpu.memory_space<hbm>> -> memref<64x256xf32, #tpu.memory_space<hbm>>
    tpu.enqueue_dma source(%dma_start3A_74 : memref<64x256xf32, #tpu.memory_space<hbm>>) target(%dma_start3A_72 : memref<64x256xf32, #tpu.memory_space<vmem>>) target_semaphore(%arg14 : memref<!tpu.dma_semaphore, #tpu.memory_space<semaphore_mem>>)
    %scan3A = arith.constant 0 : i32
    %scan3A_75 = arith.constant 64 : i32
    %scan3A_76 = arith.addi %scan3A, %scan3A_75 : i32
    %scan3A_77 = arith.constant 1 : i32
    %scan3A_78 = scf.for %scan3A_232 = %scan3A to %scan3A_76 step %scan3A_77 iter_args(%scan3A_233 = %broadcast_in_dim3A_3) -> (vector<16xf32>)  : i32 {
      %get3A = arith.constant 0 : i32
      %get3A_234 = arith.index_cast %get3A : i32 to index
      %get3A_235 = arith.index_cast %scan3A_232 : i32 to index
      %get3A_236 = arith.constant 0 : index
      %get3A_237 = tpu.vector_load %arg8[%get3A_234, %get3A_235, %get3A_236] {strides = array<i32>} : memref<2x64x256xf32, #tpu.memory_space<vmem>>, vector<1x1x16xf32>,
      %get3A_238 = vector.shape_cast %get3A_237 : vector<1x1x16xf32> to vector<16xf32>
      %get3A_239 = arith.constant 0 : i32
      %get3A_240 = arith.index_cast %get3A_239 : i32 to index
      %get3A_241 = arith.index_cast %scan3A_232 : i32 to index
      %get3A_242 = arith.constant 0 : index
      %get3A_243 = tpu.vector_load %arg9[%get3A_240, %get3A_241, %get3A_242] {strides = array<i32>} : memref<2x64x256xf32, #tpu.memory_space<vmem>>, vector<1x1x16xf32>,
      %get3A_244 = vector.shape_cast %get3A_243 : vector<1x1x16xf32> to vector<16xf32>
      %sub3A = arith.subf %get3A_238, %get3A_244 : vector<16xf32>
      %mul3A_245 = arith.mulf %sub3A, %sub3A : vector<16xf32>
      %get3A_246 = arith.constant 0 : i32
      %get3A_247 = arith.index_cast %get3A_246 : i32 to index
      %get3A_248 = arith.index_cast %scan3A_232 : i32 to index
      %get3A_249 = arith.constant 16 : index
      %get3A_250 = tpu.vector_load %arg8[%get3A_247, %get3A_248, %get3A_249] {strides = array<i32>} : memref<2x64x256xf32, #tpu.memory_space<vmem>>, vector<1x1x16xf32>,
      %get3A_251 = vector.shape_cast %get3A_250 : vector<1x1x16xf32> to vector<16xf32>
      %get3A_252 = arith.constant 0 : i32
      %get3A_253 = arith.index_cast %get3A_252 : i32 to index
      %get3A_254 = arith.index_cast %scan3A_232 : i32 to index
      %get3A_255 = arith.constant 16 : index
      %get3A_256 = tpu.vector_load %arg9[%get3A_253, %get3A_254, %get3A_255] {strides = array<i32>} : memref<2x64x256xf32, #tpu.memory_space<vmem>>, vector<1x1x16xf32>,
      %get3A_257 = vector.shape_cast %get3A_256 : vector<1x1x16xf32> to vector<16xf32>
      %sub3A_258 = arith.subf %get3A_251, %get3A_257 : vector<16xf32>
      %mul3A_259 = arith.mulf %sub3A_258, %sub3A_258 : vector<16xf32>
      %get3A_260 = arith.constant 0 : i32
      %get3A_261 = arith.index_cast %get3A_260 : i32 to index
      %get3A_262 = arith.index_cast %scan3A_232 : i32 to index
      %get3A_263 = arith.constant 32 : index
      %get3A_264 = tpu.vector_load %arg8[%get3A_261, %get3A_262, %get3A_263] {strides = array<i32>} : memref<2x64x256xf32, #tpu.memory_space<vmem>>, vector<1x1x16xf32>,
      %get3A_265 = vector.shape_cast %get3A_264 : vector<1x1x16xf32> to vector<16xf32>
      %get3A_266 = arith.constant 0 : i32
      %get3A_267 = arith.index_cast %get3A_266 : i32 to index
      %get3A_268 = arith.index_cast %scan3A_232 : i32 to index
      %get3A_269 = arith.constant 32 : index
      %get3A_270 = tpu.vector_load %arg9[%get3A_267, %get3A_268, %get3A_269] {strides = array<i32>} : memref<2x64x256xf32, #tpu.memory_space<vmem>>, vector<1x1x16xf32>,
      %get3A_271 = vector.shape_cast %get3A_270 : vector<1x1x16xf32> to vector<16xf32>
      %sub3A_272 = arith.subf %get3A_265, %get3A_271 : vector<16xf32>
      %mul3A_273 = arith.mulf %sub3A_272, %sub3A_272 : vector<16xf32>
      %get3A_274 = arith.constant 0 : i32
      %get3A_275 = arith.index_cast %get3A_274 : i32 to index
      %get3A_276 = arith.index_cast %scan3A_232 : i32 to index
      %get3A_277 = arith.constant 48 : index
      %get3A_278 = tpu.vector_load %arg8[%get3A_275, %get3A_276, %get3A_277] {strides = array<i32>} : memref<2x64x256xf32, #tpu.memory_space<vmem>>, vector<1x1x16xf32>,
      %get3A_279 = vector.shape_cast %get3A_278 : vector<1x1x16xf32> to vector<16xf32>
      %get3A_280 = arith.constant 0 : i32
      %get3A_281 = arith.index_cast %get3A_280 : i32 to index
      %get3A_282 = arith.index_cast %scan3A_232 : i32 to index
      %get3A_283 = arith.constant 48 : index
      %get3A_284 = tpu.vector_load %arg9[%get3A_281, %get3A_282, %get3A_283] {strides = array<i32>} : memref<2x64x256xf32, #tpu.memory_space<vmem>>, vector<1x1x16xf32>,
      %get3A_285 = vector.shape_cast %get3A_284 : vector<1x1x16xf32> to vector<16xf32>
      %sub3A_286 = arith.subf %get3A_279, %get3A_285 : vector<16xf32>
      %mul3A_287 = arith.mulf %sub3A_286, %sub3A_286 : vector<16xf32>
      %get3A_288 = arith.constant 0 : i32
      %get3A_289 = arith.index_cast %get3A_288 : i32 to index
      %get3A_290 = arith.index_cast %scan3A_232 : i32 to index
      %get3A_291 = arith.constant 64 : index
      %get3A_292 = tpu.vector_load %arg8[%get3A_289, %get3A_290, %get3A_291] {strides = array<i32>} : memref<2x64x256xf32, #tpu.memory_space<vmem>>, vector<1x1x16xf32>,
      %get3A_293 = vector.shape_cast %get3A_292 : vector<1x1x16xf32> to vector<16xf32>
      %get3A_294 = arith.constant 0 : i32
      %get3A_295 = arith.index_cast %get3A_294 : i32 to index
      %get3A_296 = arith.index_cast %scan3A_232 : i32 to index
      %get3A_297 = arith.constant 64 : index
      %get3A_298 = tpu.vector_load %arg9[%get3A_295, %get3A_296, %get3A_297] {strides = array<i32>} : memref<2x64x256xf32, #tpu.memory_space<vmem>>, vector<1x1x16xf32>,
      %get3A_299 = vector.shape_cast %get3A_298 : vector<1x1x16xf32> to vector<16xf32>
      %sub3A_300 = arith.subf %get3A_293, %get3A_299 : vector<16xf32>
      %mul3A_301 = arith.mulf %sub3A_300, %sub3A_300 : vector<16xf32>
      %get3A_302 = arith.constant 0 : i32
      %get3A_303 = arith.index_cast %get3A_302 : i32 to index
      %get3A_304 = arith.index_cast %scan3A_232 : i32 to index
      %get3A_305 = arith.constant 80 : index
      %get3A_306 = tpu.vector_load %arg8[%get3A_303, %get3A_304, %get3A_305] {strides = array<i32>} : memref<2x64x256xf32, #tpu.memory_space<vmem>>, vector<1x1x16xf32>,
      %get3A_307 = vector.shape_cast %get3A_306 : vector<1x1x16xf32> to vector<16xf32>
      %get3A_308 = arith.constant 0 : i32
      %get3A_309 = arith.index_cast %get3A_308 : i32 to index
      %get3A_310 = arith.index_cast %scan3A_232 : i32 to index
      %get3A_311 = arith.constant 80 : index
      %get3A_312 = tpu.vector_load %arg9[%get3A_309, %get3A_310, %get3A_311] {strides = array<i32>} : memref<2x64x256xf32, #tpu.memory_space<vmem>>, vector<1x1x16xf32>,
      %get3A_313 = vector.shape_cast %get3A_312 : vector<1x1x16xf32> to vector<16xf32>
      %sub3A_314 = arith.subf %get3A_307, %get3A_313 : vector<16xf32>
      %mul3A_315 = arith.mulf %sub3A_314, %sub3A_314 : vector<16xf32>
      %get3A_316 = arith.constant 0 : i32
      %get3A_317 = arith.index_cast %get3A_316 : i32 to index
      %get3A_318 = arith.index_cast %scan3A_232 : i32 to index
      %get3A_319 = arith.constant 96 : index
      %get3A_320 = tpu.vector_load %arg8[%get3A_317, %get3A_318, %get3A_319] {strides = array<i32>} : memref<2x64x256xf32, #tpu.memory_space<vmem>>, vector<1x1x16xf32>,
      %get3A_321 = vector.shape_cast %get3A_320 : vector<1x1x16xf32> to vector<16xf32>
      %get3A_322 = arith.constant 0 : i32
      %get3A_323 = arith.index_cast %get3A_322 : i32 to index
      %get3A_324 = arith.index_cast %scan3A_232 : i32 to index
      %get3A_325 = arith.constant 96 : index
      %get3A_326 = tpu.vector_load %arg9[%get3A_323, %get3A_324, %get3A_325] {strides = array<i32>} : memref<2x64x256xf32, #tpu.memory_space<vmem>>, vector<1x1x16xf32>,
      %get3A_327 = vector.shape_cast %get3A_326 : vector<1x1x16xf32> to vector<16xf32>
      %sub3A_328 = arith.subf %get3A_321, %get3A_327 : vector<16xf32>
      %mul3A_329 = arith.mulf %sub3A_328, %sub3A_328 : vector<16xf32>
      %get3A_330 = arith.constant 0 : i32
      %get3A_331 = arith.index_cast %get3A_330 : i32 to index
      %get3A_332 = arith.index_cast %scan3A_232 : i32 to index
      %get3A_333 = arith.constant 112 : index
      %get3A_334 = tpu.vector_load %arg8[%get3A_331, %get3A_332, %get3A_333] {strides = array<i32>} : memref<2x64x256xf32, #tpu.memory_space<vmem>>, vector<1x1x16xf32>,
      %get3A_335 = vector.shape_cast %get3A_334 : vector<1x1x16xf32> to vector<16xf32>
      %get3A_336 = arith.constant 0 : i32
      %get3A_337 = arith.index_cast %get3A_336 : i32 to index
      %get3A_338 = arith.index_cast %scan3A_232 : i32 to index
      %get3A_339 = arith.constant 112 : index
      %get3A_340 = tpu.vector_load %arg9[%get3A_337, %get3A_338, %get3A_339] {strides = array<i32>} : memref<2x64x256xf32, #tpu.memory_space<vmem>>, vector<1x1x16xf32>,
      %get3A_341 = vector.shape_cast %get3A_340 : vector<1x1x16xf32> to vector<16xf32>
      %sub3A_342 = arith.subf %get3A_335, %get3A_341 : vector<16xf32>
      %mul3A_343 = arith.mulf %sub3A_342, %sub3A_342 : vector<16xf32>
      %get3A_344 = arith.constant 0 : i32
      %get3A_345 = arith.index_cast %get3A_344 : i32 to index
      %get3A_346 = arith.index_cast %scan3A_232 : i32 to index
      %get3A_347 = arith.constant 128 : index
      %get3A_348 = tpu.vector_load %arg8[%get3A_345, %get3A_346, %get3A_347] {strides = array<i32>} : memref<2x64x256xf32, #tpu.memory_space<vmem>>, vector<1x1x16xf32>,
      %get3A_349 = vector.shape_cast %get3A_348 : vector<1x1x16xf32> to vector<16xf32>
      %get3A_350 = arith.constant 0 : i32
      %get3A_351 = arith.index_cast %get3A_350 : i32 to index
      %get3A_352 = arith.index_cast %scan3A_232 : i32 to index
      %get3A_353 = arith.constant 128 : index
      %get3A_354 = tpu.vector_load %arg9[%get3A_351, %get3A_352, %get3A_353] {strides = array<i32>} : memref<2x64x256xf32, #tpu.memory_space<vmem>>, vector<1x1x16xf32>,
      %get3A_355 = vector.shape_cast %get3A_354 : vector<1x1x16xf32> to vector<16xf32>
      %sub3A_356 = arith.subf %get3A_349, %get3A_355 : vector<16xf32>
      %mul3A_357 = arith.mulf %sub3A_356, %sub3A_356 : vector<16xf32>
      %get3A_358 = arith.constant 0 : i32
      %get3A_359 = arith.index_cast %get3A_358 : i32 to index
      %get3A_360 = arith.index_cast %scan3A_232 : i32 to index
      %get3A_361 = arith.constant 144 : index
      %get3A_362 = tpu.vector_load %arg8[%get3A_359, %get3A_360, %get3A_361] {strides = array<i32>} : memref<2x64x256xf32, #tpu.memory_space<vmem>>, vector<1x1x16xf32>,
      %get3A_363 = vector.shape_cast %get3A_362 : vector<1x1x16xf32> to vector<16xf32>
      %get3A_364 = arith.constant 0 : i32
      %get3A_365 = arith.index_cast %get3A_364 : i32 to index
      %get3A_366 = arith.index_cast %scan3A_232 : i32 to index
      %get3A_367 = arith.constant 144 : index
      %get3A_368 = tpu.vector_load %arg9[%get3A_365, %get3A_366, %get3A_367] {strides = array<i32>} : memref<2x64x256xf32, #tpu.memory_space<vmem>>, vector<1x1x16xf32>,
      %get3A_369 = vector.shape_cast %get3A_368 : vector<1x1x16xf32> to vector<16xf32>
      %sub3A_370 = arith.subf %get3A_363, %get3A_369 : vector<16xf32>
      %mul3A_371 = arith.mulf %sub3A_370, %sub3A_370 : vector<16xf32>
      %get3A_372 = arith.constant 0 : i32
      %get3A_373 = arith.index_cast %get3A_372 : i32 to index
      %get3A_374 = arith.index_cast %scan3A_232 : i32 to index
      %get3A_375 = arith.constant 160 : index
      %get3A_376 = tpu.vector_load %arg8[%get3A_373, %get3A_374, %get3A_375] {strides = array<i32>} : memref<2x64x256xf32, #tpu.memory_space<vmem>>, vector<1x1x16xf32>,
      %get3A_377 = vector.shape_cast %get3A_376 : vector<1x1x16xf32> to vector<16xf32>
      %get3A_378 = arith.constant 0 : i32
      %get3A_379 = arith.index_cast %get3A_378 : i32 to index
      %get3A_380 = arith.index_cast %scan3A_232 : i32 to index
      %get3A_381 = arith.constant 160 : index
      %get3A_382 = tpu.vector_load %arg9[%get3A_379, %get3A_380, %get3A_381] {strides = array<i32>} : memref<2x64x256xf32, #tpu.memory_space<vmem>>, vector<1x1x16xf32>,
      %get3A_383 = vector.shape_cast %get3A_382 : vector<1x1x16xf32> to vector<16xf32>
      %sub3A_384 = arith.subf %get3A_377, %get3A_383 : vector<16xf32>
      %mul3A_385 = arith.mulf %sub3A_384, %sub3A_384 : vector<16xf32>
      %get3A_386 = arith.constant 0 : i32
      %get3A_387 = arith.index_cast %get3A_386 : i32 to index
      %get3A_388 = arith.index_cast %scan3A_232 : i32 to index
      %get3A_389 = arith.constant 176 : index
      %get3A_390 = tpu.vector_load %arg8[%get3A_387, %get3A_388, %get3A_389] {strides = array<i32>} : memref<2x64x256xf32, #tpu.memory_space<vmem>>, vector<1x1x16xf32>,
      %get3A_391 = vector.shape_cast %get3A_390 : vector<1x1x16xf32> to vector<16xf32>
      %get3A_392 = arith.constant 0 : i32
      %get3A_393 = arith.index_cast %get3A_392 : i32 to index
      %get3A_394 = arith.index_cast %scan3A_232 : i32 to index
      %get3A_395 = arith.constant 176 : index
      %get3A_396 = tpu.vector_load %arg9[%get3A_393, %get3A_394, %get3A_395] {strides = array<i32>} : memref<2x64x256xf32, #tpu.memory_space<vmem>>, vector<1x1x16xf32>,
      %get3A_397 = vector.shape_cast %get3A_396 : vector<1x1x16xf32> to vector<16xf32>
      %sub3A_398 = arith.subf %get3A_391, %get3A_397 : vector<16xf32>
      %mul3A_399 = arith.mulf %sub3A_398, %sub3A_398 : vector<16xf32>
      %get3A_400 = arith.constant 0 : i32
      %get3A_401 = arith.index_cast %get3A_400 : i32 to index
      %get3A_402 = arith.index_cast %scan3A_232 : i32 to index
      %get3A_403 = arith.constant 192 : index
      %get3A_404 = tpu.vector_load %arg8[%get3A_401, %get3A_402, %get3A_403] {strides = array<i32>} : memref<2x64x256xf32, #tpu.memory_space<vmem>>, vector<1x1x16xf32>,
      %get3A_405 = vector.shape_cast %get3A_404 : vector<1x1x16xf32> to vector<16xf32>
      %get3A_406 = arith.constant 0 : i32
      %get3A_407 = arith.index_cast %get3A_406 : i32 to index
      %get3A_408 = arith.index_cast %scan3A_232 : i32 to index
      %get3A_409 = arith.constant 192 : index
      %get3A_410 = tpu.vector_load %arg9[%get3A_407, %get3A_408, %get3A_409] {strides = array<i32>} : memref<2x64x256xf32, #tpu.memory_space<vmem>>, vector<1x1x16xf32>,
      %get3A_411 = vector.shape_cast %get3A_410 : vector<1x1x16xf32> to vector<16xf32>
      %sub3A_412 = arith.subf %get3A_405, %get3A_411 : vector<16xf32>
      %mul3A_413 = arith.mulf %sub3A_412, %sub3A_412 : vector<16xf32>
      %get3A_414 = arith.constant 0 : i32
      %get3A_415 = arith.index_cast %get3A_414 : i32 to index
      %get3A_416 = arith.index_cast %scan3A_232 : i32 to index
      %get3A_417 = arith.constant 208 : index
      %get3A_418 = tpu.vector_load %arg8[%get3A_415, %get3A_416, %get3A_417] {strides = array<i32>} : memref<2x64x256xf32, #tpu.memory_space<vmem>>, vector<1x1x16xf32>,
      %get3A_419 = vector.shape_cast %get3A_418 : vector<1x1x16xf32> to vector<16xf32>
      %get3A_420 = arith.constant 0 : i32
      %get3A_421 = arith.index_cast %get3A_420 : i32 to index
      %get3A_422 = arith.index_cast %scan3A_232 : i32 to index
      %get3A_423 = arith.constant 208 : index
      %get3A_424 = tpu.vector_load %arg9[%get3A_421, %get3A_422, %get3A_423] {strides = array<i32>} : memref<2x64x256xf32, #tpu.memory_space<vmem>>, vector<1x1x16xf32>,
      %get3A_425 = vector.shape_cast %get3A_424 : vector<1x1x16xf32> to vector<16xf32>
      %sub3A_426 = arith.subf %get3A_419, %get3A_425 : vector<16xf32>
      %mul3A_427 = arith.mulf %sub3A_426, %sub3A_426 : vector<16xf32>
      %get3A_428 = arith.constant 0 : i32
      %get3A_429 = arith.index_cast %get3A_428 : i32 to index
      %get3A_430 = arith.index_cast %scan3A_232 : i32 to index
      %get3A_431 = arith.constant 224 : index
      %get3A_432 = tpu.vector_load %arg8[%get3A_429, %get3A_430, %get3A_431] {strides = array<i32>} : memref<2x64x256xf32, #tpu.memory_space<vmem>>, vector<1x1x16xf32>,
      %get3A_433 = vector.shape_cast %get3A_432 : vector<1x1x16xf32> to vector<16xf32>
      %get3A_434 = arith.constant 0 : i32
      %get3A_435 = arith.index_cast %get3A_434 : i32 to index
      %get3A_436 = arith.index_cast %scan3A_232 : i32 to index
      %get3A_437 = arith.constant 224 : index
      %get3A_438 = tpu.vector_load %arg9[%get3A_435, %get3A_436, %get3A_437] {strides = array<i32>} : memref<2x64x256xf32, #tpu.memory_space<vmem>>, vector<1x1x16xf32>,
      %get3A_439 = vector.shape_cast %get3A_438 : vector<1x1x16xf32> to vector<16xf32>
      %sub3A_440 = arith.subf %get3A_433, %get3A_439 : vector<16xf32>
      %mul3A_441 = arith.mulf %sub3A_440, %sub3A_440 : vector<16xf32>
      %get3A_442 = arith.constant 0 : i32
      %get3A_443 = arith.index_cast %get3A_442 : i32 to index
      %get3A_444 = arith.index_cast %scan3A_232 : i32 to index
      %get3A_445 = arith.constant 240 : index
      %get3A_446 = tpu.vector_load %arg8[%get3A_443, %get3A_444, %get3A_445] {strides = array<i32>} : memref<2x64x256xf32, #tpu.memory_space<vmem>>, vector<1x1x16xf32>,
      %get3A_447 = vector.shape_cast %get3A_446 : vector<1x1x16xf32> to vector<16xf32>
      %get3A_448 = arith.constant 0 : i32
      %get3A_449 = arith.index_cast %get3A_448 : i32 to index
      %get3A_450 = arith.index_cast %scan3A_232 : i32 to index
      %get3A_451 = arith.constant 240 : index
      %get3A_452 = tpu.vector_load %arg9[%get3A_449, %get3A_450, %get3A_451] {strides = array<i32>} : memref<2x64x256xf32, #tpu.memory_space<vmem>>, vector<1x1x16xf32>,
      %get3A_453 = vector.shape_cast %get3A_452 : vector<1x1x16xf32> to vector<16xf32>
      %sub3A_454 = arith.subf %get3A_447, %get3A_453 : vector<16xf32>
      %mul3A_455 = arith.mulf %sub3A_454, %sub3A_454 : vector<16xf32>
      %add3A_456 = arith.addf %mul3A_245, %mul3A_259 : vector<16xf32>
      %add3A_457 = arith.addf %mul3A_273, %mul3A_287 : vector<16xf32>
      %add3A_458 = arith.addf %mul3A_301, %mul3A_315 : vector<16xf32>
      %add3A_459 = arith.addf %mul3A_329, %mul3A_343 : vector<16xf32>
      %add3A_460 = arith.addf %mul3A_357, %mul3A_371 : vector<16xf32>
      %add3A_461 = arith.addf %mul3A_385, %mul3A_399 : vector<16xf32>
      %add3A_462 = arith.addf %mul3A_413, %mul3A_427 : vector<16xf32>
      %add3A_463 = arith.addf %mul3A_441, %mul3A_455 : vector<16xf32>
      %add3A_464 = arith.addf %add3A_456, %add3A_457 : vector<16xf32>
      %add3A_465 = arith.addf %add3A_458, %add3A_459 : vector<16xf32>
      %add3A_466 = arith.addf %add3A_460, %add3A_461 : vector<16xf32>
      %add3A_467 = arith.addf %add3A_462, %add3A_463 : vector<16xf32>
      %add3A_468 = arith.addf %add3A_464, %add3A_465 : vector<16xf32>
      %add3A_469 = arith.addf %add3A_466, %add3A_467 : vector<16xf32>
      %add3A_470 = arith.addf %add3A_468, %add3A_469 : vector<16xf32>
      %add3A_471 = arith.addf %scan3A_233, %add3A_470 : vector<16xf32>
      scf.yield %add3A_471 : vector<16xf32>
    }
    %scan3A_79 = arith.constant 64 : i32
    %add3A_80 = arith.constant 0 : i32
    %add3A_81 = arith.addi %mul3A_2, %add3A_80 : i32
    %run_scoped3A_82 = arith.constant 0 : i32
    "tpu.region"() ({
      %run_scoped3A_232 = tpu.sem_alloc : memref<!tpu.dma_semaphore, #tpu.memory_space<semaphore_mem>>
      %dma_start3A_233 = arith.constant 0 : i32
      %dma_start3A_234 = arith.constant 0 : i32
      %dma_start3A_235 = tpu.memref_slice %arg8[%run_scoped3A_82, %dma_start3A_233, %dma_start3A_234] : memref<2x64x256xf32, #tpu.memory_space<vmem>> -> memref<1x64x256xf32, #tpu.memory_space<vmem>>
      %dma_start3A_236 = tpu.memref_squeeze %dma_start3A_235 : memref<1x64x256xf32, #tpu.memory_space<vmem>> -> memref<64x256xf32, #tpu.memory_space<vmem>>
      %dma_start3A_237 = arith.constant 0 : i32
      %dma_start3A_238 = tpu.memref_slice %arg5[%add3A_81, %dma_start3A_237] : memref<8192x256xf32, #tpu.memory_space<hbm>> -> memref<64x256xf32, #tpu.memory_space<hbm>>
      %dma_start3A_239 = arith.constant 0 : i32
      %dma_start3A_240 = tpu.memref_slice %arg5[%add3A_81, %dma_start3A_239] : memref<8192x256xf32, #tpu.memory_space<hbm>> -> memref<64x256xf32, #tpu.memory_space<hbm>>
      %dma_start3A_241 = arith.constant 0 : i32
      %dma_start3A_242 = arith.constant 0 : i32
      %dma_start3A_243 = tpu.memref_slice %arg8[%run_scoped3A_82, %dma_start3A_241, %dma_start3A_242] : memref<2x64x256xf32, #tpu.memory_space<vmem>> -> memref<1x64x256xf32, #tpu.memory_space<vmem>>
      %dma_start3A_244 = tpu.memref_squeeze %dma_start3A_243 : memref<1x64x256xf32, #tpu.memory_space<vmem>> -> memref<64x256xf32, #tpu.memory_space<vmem>>
      tpu.enqueue_dma source(%dma_start3A_244 : memref<64x256xf32, #tpu.memory_space<vmem>>) target(%dma_start3A_240 : memref<64x256xf32, #tpu.memory_space<hbm>>) target_semaphore(%run_scoped3A_232 : memref<!tpu.dma_semaphore, #tpu.memory_space<semaphore_mem>>)
      %dma_wait3A_245 = arith.constant 0 : i32
      %dma_wait3A_246 = arith.constant 0 : i32
      %dma_wait3A_247 = tpu.memref_slice %arg8[%run_scoped3A_82, %dma_wait3A_245, %dma_wait3A_246] : memref<2x64x256xf32, #tpu.memory_space<vmem>> -> memref<1x64x256xf32, #tpu.memory_space<vmem>>
      %dma_wait3A_248 = tpu.memref_squeeze %dma_wait3A_247 : memref<1x64x256xf32, #tpu.memory_space<vmem>> -> memref<64x256xf32, #tpu.memory_space<vmem>>
      %dma_wait3A_249 = arith.constant 0 : i32
      %dma_wait3A_250 = tpu.memref_slice %arg5[%add3A_81, %dma_wait3A_249] : memref<8192x256xf32, #tpu.memory_space<hbm>> -> memref<64x256xf32, #tpu.memory_space<hbm>>
      %dma_wait3A_251 = arith.constant 0 : i32
      %dma_wait3A_252 = tpu.memref_slice %arg5[%add3A_81, %dma_wait3A_251] : memref<8192x256xf32, #tpu.memory_space<hbm>> -> memref<64x256xf32, #tpu.memory_space<hbm>>
      %dma_wait3A_253 = arith.constant 0 : i32
      %dma_wait3A_254 = arith.constant 0 : i32
      %dma_wait3A_255 = tpu.memref_slice %arg8[%run_scoped3A_82, %dma_wait3A_253, %dma_wait3A_254] : memref<2x64x256xf32, #tpu.memory_space<vmem>> -> memref<1x64x256xf32, #tpu.memory_space<vmem>>
      %dma_wait3A_256 = tpu.memref_squeeze %dma_wait3A_255 : memref<1x64x256xf32, #tpu.memory_space<vmem>> -> memref<64x256xf32, #tpu.memory_space<vmem>>
      tpu.wait_dma2 semaphore(%run_scoped3A_232 : memref<!tpu.dma_semaphore, #tpu.memory_space<semaphore_mem>>) src(%dma_wait3A_256 : memref<64x256xf32, #tpu.memory_space<vmem>>) dst(%dma_wait3A_252 : memref<64x256xf32, #tpu.memory_space<hbm>>)
      tpu.yield
    }) : () -> ()
    %dma_wait3A_83 = arith.constant 1 : i32
    %dma_wait3A_84 = arith.constant 0 : i32
    %dma_wait3A_85 = arith.constant 0 : i32
    %dma_wait3A_86 = tpu.memref_slice %arg8[%dma_wait3A_83, %dma_wait3A_84, %dma_wait3A_85] : memref<2x64x256xf32, #tpu.memory_space<vmem>> -> memref<1x64x256xf32, #tpu.memory_space<vmem>>
    %dma_wait3A_87 = tpu.memref_squeeze %dma_wait3A_86 : memref<1x64x256xf32, #tpu.memory_space<vmem>> -> memref<64x256xf32, #tpu.memory_space<vmem>>
    %dma_wait3A_88 = arith.constant 64 : i32
    %dma_wait3A_89 = tpu.memref_slice %arg7[%dma_wait3A_88] : memref<256xi32, #tpu.memory_space<vmem>> -> memref<64xi32, #tpu.memory_space<vmem>>
    %dma_wait3A_90 = arith.constant 0 : i32
    %dma_wait3A_91 = arith.constant 0 : i32
    %dma_wait3A_92 = tpu.memref_slice %arg2[%dma_wait3A_90, %dma_wait3A_91] : memref<8192x256xf32, #tpu.memory_space<hbm>> -> memref<8192x256xf32, #tpu.memory_space<hbm>>
    tpu.wait_indirect_dma semaphore(%arg12 : memref<!tpu.dma_semaphore, #tpu.memory_space<semaphore_mem>>) src(%dma_wait3A_92 : memref<8192x256xf32, #tpu.memory_space<hbm>>) dst(%dma_wait3A_87 : memref<64x256xf32, #tpu.memory_space<vmem>>)
    %dma_wait3A_93 = arith.constant 1 : i32
    %dma_wait3A_94 = arith.constant 0 : i32
    %dma_wait3A_95 = arith.constant 0 : i32
    %dma_wait3A_96 = tpu.memref_slice %arg9[%dma_wait3A_93, %dma_wait3A_94, %dma_wait3A_95] : memref<2x64x256xf32, #tpu.memory_space<vmem>> -> memref<1x64x256xf32, #tpu.memory_space<vmem>>
    %dma_wait3A_97 = tpu.memref_squeeze %dma_wait3A_96 : memref<1x64x256xf32, #tpu.memory_space<vmem>> -> memref<64x256xf32, #tpu.memory_space<vmem>>
    %dma_wait3A_98 = arith.constant 0 : i32
    %dma_wait3A_99 = tpu.memref_slice %arg4[%add3A_61, %dma_wait3A_98] : memref<8192x256xf32, #tpu.memory_space<hbm>> -> memref<64x256xf32, #tpu.memory_space<hbm>>
    %dma_wait3A_100 = arith.constant 0 : i32
    %dma_wait3A_101 = arith.constant 0 : i32
    %dma_wait3A_102 = tpu.memref_slice %arg9[%dma_wait3A_93, %dma_wait3A_100, %dma_wait3A_101] : memref<2x64x256xf32, #tpu.memory_space<vmem>> -> memref<1x64x256xf32, #tpu.memory_space<vmem>>
    %dma_wait3A_103 = tpu.memref_squeeze %dma_wait3A_102 : memref<1x64x256xf32, #tpu.memory_space<vmem>> -> memref<64x256xf32, #tpu.memory_space<vmem>>
    %dma_wait3A_104 = arith.constant 0 : i32
    %dma_wait3A_105 = tpu.memref_slice %arg4[%add3A_61, %dma_wait3A_104] : memref<8192x256xf32, #tpu.memory_space<hbm>> -> memref<64x256xf32, #tpu.memory_space<hbm>>
    tpu.wait_dma2 semaphore(%arg14 : memref<!tpu.dma_semaphore, #tpu.memory_space<semaphore_mem>>) src(%dma_wait3A_105 : memref<64x256xf32, #tpu.memory_space<hbm>>) dst(%dma_wait3A_103 : memref<64x256xf32, #tpu.memory_space<vmem>>)
    %dma_start3A_106 = arith.constant 0 : i32
    %dma_start3A_107 = arith.constant 0 : i32
    %dma_start3A_108 = arith.constant 0 : i32
    %dma_start3A_109 = tpu.memref_slice %arg8[%dma_start3A_106, %dma_start3A_107, %dma_start3A_108] : memref<2x64x256xf32, #tpu.memory_space<vmem>> -> memref<1x64x256xf32, #tpu.memory_space<vmem>>
    %dma_start3A_110 = tpu.memref_squeeze %dma_start3A_109 : memref<1x64x256xf32, #tpu.memory_space<vmem>> -> memref<64x256xf32, #tpu.memory_space<vmem>>
    %dma_start3A_111 = arith.constant 128 : i32
    %dma_start3A_112 = tpu.memref_slice %arg7[%dma_start3A_111] : memref<256xi32, #tpu.memory_space<vmem>> -> memref<64xi32, #tpu.memory_space<vmem>>
    %dma_start3A_113 = arith.constant 0 : i32
    %dma_start3A_114 = arith.constant 0 : i32
    %dma_start3A_115 = tpu.memref_slice %arg2[%dma_start3A_113, %dma_start3A_114] : memref<8192x256xf32, #tpu.memory_space<hbm>> -> memref<8192x256xf32, #tpu.memory_space<hbm>>
    tpu.enqueue_indirect_dma source(%dma_start3A_115 : memref<8192x256xf32, #tpu.memory_space<hbm>>) target(%dma_start3A_110 : memref<64x256xf32, #tpu.memory_space<vmem>>) offsets(%dma_start3A_112 : memref<64xi32, #tpu.memory_space<vmem>>) semaphore(%arg11 : memref<!tpu.dma_semaphore, #tpu.memory_space<semaphore_mem>>)
    %add3A_116 = arith.constant 128 : i32
    %add3A_117 = arith.addi %mul3A_2, %add3A_116 : i32
    %dma_start3A_118 = arith.constant 0 : i32
    %dma_start3A_119 = arith.constant 0 : i32
    %dma_start3A_120 = arith.constant 0 : i32
    %dma_start3A_121 = tpu.memref_slice %arg9[%dma_start3A_118, %dma_start3A_119, %dma_start3A_120] : memref<2x64x256xf32, #tpu.memory_space<vmem>> -> memref<1x64x256xf32, #tpu.memory_space<vmem>>
    %dma_start3A_122 = tpu.memref_squeeze %dma_start3A_121 : memref<1x64x256xf32, #tpu.memory_space<vmem>> -> memref<64x256xf32, #tpu.memory_space<vmem>>
    %dma_start3A_123 = arith.constant 0 : i32
    %dma_start3A_124 = tpu.memref_slice %arg4[%add3A_117, %dma_start3A_123] : memref<8192x256xf32, #tpu.memory_space<hbm>> -> memref<64x256xf32, #tpu.memory_space<hbm>>
    %dma_start3A_125 = arith.constant 0 : i32
    %dma_start3A_126 = arith.constant 0 : i32
    %dma_start3A_127 = tpu.memref_slice %arg9[%dma_start3A_118, %dma_start3A_125, %dma_start3A_126] : memref<2x64x256xf32, #tpu.memory_space<vmem>> -> memref<1x64x256xf32, #tpu.memory_space<vmem>>
    %dma_start3A_128 = tpu.memref_squeeze %dma_start3A_127 : memref<1x64x256xf32, #tpu.memory_space<vmem>> -> memref<64x256xf32, #tpu.memory_space<vmem>>
    %dma_start3A_129 = arith.constant 0 : i32
    %dma_start3A_130 = tpu.memref_slice %arg4[%add3A_117, %dma_start3A_129] : memref<8192x256xf32, #tpu.memory_space<hbm>> -> memref<64x256xf32, #tpu.memory_space<hbm>>
    tpu.enqueue_dma source(%dma_start3A_130 : memref<64x256xf32, #tpu.memory_space<hbm>>) target(%dma_start3A_128 : memref<64x256xf32, #tpu.memory_space<vmem>>) target_semaphore(%arg13 : memref<!tpu.dma_semaphore, #tpu.memory_space<semaphore_mem>>)
    %scan3A_131 = arith.constant 0 : i32
    %scan3A_132 = arith.constant 64 : i32
    %scan3A_133 = arith.addi %scan3A_131, %scan3A_132 : i32
    %scan3A_134 = arith.constant 1 : i32
    %scan3A_135 = scf.for %scan3A_232 = %scan3A_131 to %scan3A_133 step %scan3A_134 iter_args(%scan3A_233 = %scan3A_78) -> (vector<16xf32>)  : i32 {
      %get3A = arith.constant 1 : i32
      %get3A_234 = arith.index_cast %get3A : i32 to index
      %get3A_235 = arith.index_cast %scan3A_232 : i32 to index
      %get3A_236 = arith.constant 0 : index
      %get3A_237 = tpu.vector_load %arg8[%get3A_234, %get3A_235, %get3A_236] {strides = array<i32>} : memref<2x64x256xf32, #tpu.memory_space<vmem>>, vector<1x1x16xf32>,
      %get3A_238 = vector.shape_cast %get3A_237 : vector<1x1x16xf32> to vector<16xf32>
      %get3A_239 = arith.constant 1 : i32
      %get3A_240 = arith.index_cast %get3A_239 : i32 to index
      %get3A_241 = arith.index_cast %scan3A_232 : i32 to index
      %get3A_242 = arith.constant 0 : index
      %get3A_243 = tpu.vector_load %arg9[%get3A_240, %get3A_241, %get3A_242] {strides = array<i32>} : memref<2x64x256xf32, #tpu.memory_space<vmem>>, vector<1x1x16xf32>,
      %get3A_244 = vector.shape_cast %get3A_243 : vector<1x1x16xf32> to vector<16xf32>
      %sub3A = arith.subf %get3A_238, %get3A_244 : vector<16xf32>
      %mul3A_245 = arith.mulf %sub3A, %sub3A : vector<16xf32>
      %get3A_246 = arith.constant 1 : i32
      %get3A_247 = arith.index_cast %get3A_246 : i32 to index
      %get3A_248 = arith.index_cast %scan3A_232 : i32 to index
      %get3A_249 = arith.constant 16 : index
      %get3A_250 = tpu.vector_load %arg8[%get3A_247, %get3A_248, %get3A_249] {strides = array<i32>} : memref<2x64x256xf32, #tpu.memory_space<vmem>>, vector<1x1x16xf32>,
      %get3A_251 = vector.shape_cast %get3A_250 : vector<1x1x16xf32> to vector<16xf32>
      %get3A_252 = arith.constant 1 : i32
      %get3A_253 = arith.index_cast %get3A_252 : i32 to index
      %get3A_254 = arith.index_cast %scan3A_232 : i32 to index
      %get3A_255 = arith.constant 16 : index
      %get3A_256 = tpu.vector_load %arg9[%get3A_253, %get3A_254, %get3A_255] {strides = array<i32>} : memref<2x64x256xf32, #tpu.memory_space<vmem>>, vector<1x1x16xf32>,
      %get3A_257 = vector.shape_cast %get3A_256 : vector<1x1x16xf32> to vector<16xf32>
      %sub3A_258 = arith.subf %get3A_251, %get3A_257 : vector<16xf32>
      %mul3A_259 = arith.mulf %sub3A_258, %sub3A_258 : vector<16xf32>
      %get3A_260 = arith.constant 1 : i32
      %get3A_261 = arith.index_cast %get3A_260 : i32 to index
      %get3A_262 = arith.index_cast %scan3A_232 : i32 to index
      %get3A_263 = arith.constant 32 : index
      %get3A_264 = tpu.vector_load %arg8[%get3A_261, %get3A_262, %get3A_263] {strides = array<i32>} : memref<2x64x256xf32, #tpu.memory_space<vmem>>, vector<1x1x16xf32>,
      %get3A_265 = vector.shape_cast %get3A_264 : vector<1x1x16xf32> to vector<16xf32>
      %get3A_266 = arith.constant 1 : i32
      %get3A_267 = arith.index_cast %get3A_266 : i32 to index
      %get3A_268 = arith.index_cast %scan3A_232 : i32 to index
      %get3A_269 = arith.constant 32 : index
      %get3A_270 = tpu.vector_load %arg9[%get3A_267, %get3A_268, %get3A_269] {strides = array<i32>} : memref<2x64x256xf32, #tpu.memory_space<vmem>>, vector<1x1x16xf32>,
      %get3A_271 = vector.shape_cast %get3A_270 : vector<1x1x16xf32> to vector<16xf32>
      %sub3A_272 = arith.subf %get3A_265, %get3A_271 : vector<16xf32>
      %mul3A_273 = arith.mulf %sub3A_272, %sub3A_272 : vector<16xf32>
      %get3A_274 = arith.constant 1 : i32
      %get3A_275 = arith.index_cast %get3A_274 : i32 to index
      %get3A_276 = arith.index_cast %scan3A_232 : i32 to index
      %get3A_277 = arith.constant 48 : index
      %get3A_278 = tpu.vector_load %arg8[%get3A_275, %get3A_276, %get3A_277] {strides = array<i32>} : memref<2x64x256xf32, #tpu.memory_space<vmem>>, vector<1x1x16xf32>,
      %get3A_279 = vector.shape_cast %get3A_278 : vector<1x1x16xf32> to vector<16xf32>
      %get3A_280 = arith.constant 1 : i32
      %get3A_281 = arith.index_cast %get3A_280 : i32 to index
      %get3A_282 = arith.index_cast %scan3A_232 : i32 to index
      %get3A_283 = arith.constant 48 : index
      %get3A_284 = tpu.vector_load %arg9[%get3A_281, %get3A_282, %get3A_283] {strides = array<i32>} : memref<2x64x256xf32, #tpu.memory_space<vmem>>, vector<1x1x16xf32>,
      %get3A_285 = vector.shape_cast %get3A_284 : vector<1x1x16xf32> to vector<16xf32>
      %sub3A_286 = arith.subf %get3A_279, %get3A_285 : vector<16xf32>
      %mul3A_287 = arith.mulf %sub3A_286, %sub3A_286 : vector<16xf32>
      %get3A_288 = arith.constant 1 : i32
      %get3A_289 = arith.index_cast %get3A_288 : i32 to index
      %get3A_290 = arith.index_cast %scan3A_232 : i32 to index
      %get3A_291 = arith.constant 64 : index
      %get3A_292 = tpu.vector_load %arg8[%get3A_289, %get3A_290, %get3A_291] {strides = array<i32>} : memref<2x64x256xf32, #tpu.memory_space<vmem>>, vector<1x1x16xf32>,
      %get3A_293 = vector.shape_cast %get3A_292 : vector<1x1x16xf32> to vector<16xf32>
      %get3A_294 = arith.constant 1 : i32
      %get3A_295 = arith.index_cast %get3A_294 : i32 to index
      %get3A_296 = arith.index_cast %scan3A_232 : i32 to index
      %get3A_297 = arith.constant 64 : index
      %get3A_298 = tpu.vector_load %arg9[%get3A_295, %get3A_296, %get3A_297] {strides = array<i32>} : memref<2x64x256xf32, #tpu.memory_space<vmem>>, vector<1x1x16xf32>,
      %get3A_299 = vector.shape_cast %get3A_298 : vector<1x1x16xf32> to vector<16xf32>
      %sub3A_300 = arith.subf %get3A_293, %get3A_299 : vector<16xf32>
      %mul3A_301 = arith.mulf %sub3A_300, %sub3A_300 : vector<16xf32>
      %get3A_302 = arith.constant 1 : i32
      %get3A_303 = arith.index_cast %get3A_302 : i32 to index
      %get3A_304 = arith.index_cast %scan3A_232 : i32 to index
      %get3A_305 = arith.constant 80 : index
      %get3A_306 = tpu.vector_load %arg8[%get3A_303, %get3A_304, %get3A_305] {strides = array<i32>} : memref<2x64x256xf32, #tpu.memory_space<vmem>>, vector<1x1x16xf32>,
      %get3A_307 = vector.shape_cast %get3A_306 : vector<1x1x16xf32> to vector<16xf32>
      %get3A_308 = arith.constant 1 : i32
      %get3A_309 = arith.index_cast %get3A_308 : i32 to index
      %get3A_310 = arith.index_cast %scan3A_232 : i32 to index
      %get3A_311 = arith.constant 80 : index
      %get3A_312 = tpu.vector_load %arg9[%get3A_309, %get3A_310, %get3A_311] {strides = array<i32>} : memref<2x64x256xf32, #tpu.memory_space<vmem>>, vector<1x1x16xf32>,
      %get3A_313 = vector.shape_cast %get3A_312 : vector<1x1x16xf32> to vector<16xf32>
      %sub3A_314 = arith.subf %get3A_307, %get3A_313 : vector<16xf32>
      %mul3A_315 = arith.mulf %sub3A_314, %sub3A_314 : vector<16xf32>
      %get3A_316 = arith.constant 1 : i32
      %get3A_317 = arith.index_cast %get3A_316 : i32 to index
      %get3A_318 = arith.index_cast %scan3A_232 : i32 to index
      %get3A_319 = arith.constant 96 : index
      %get3A_320 = tpu.vector_load %arg8[%get3A_317, %get3A_318, %get3A_319] {strides = array<i32>} : memref<2x64x256xf32, #tpu.memory_space<vmem>>, vector<1x1x16xf32>,
      %get3A_321 = vector.shape_cast %get3A_320 : vector<1x1x16xf32> to vector<16xf32>
      %get3A_322 = arith.constant 1 : i32
      %get3A_323 = arith.index_cast %get3A_322 : i32 to index
      %get3A_324 = arith.index_cast %scan3A_232 : i32 to index
      %get3A_325 = arith.constant 96 : index
      %get3A_326 = tpu.vector_load %arg9[%get3A_323, %get3A_324, %get3A_325] {strides = array<i32>} : memref<2x64x256xf32, #tpu.memory_space<vmem>>, vector<1x1x16xf32>,
      %get3A_327 = vector.shape_cast %get3A_326 : vector<1x1x16xf32> to vector<16xf32>
      %sub3A_328 = arith.subf %get3A_321, %get3A_327 : vector<16xf32>
      %mul3A_329 = arith.mulf %sub3A_328, %sub3A_328 : vector<16xf32>
      %get3A_330 = arith.constant 1 : i32
      %get3A_331 = arith.index_cast %get3A_330 : i32 to index
      %get3A_332 = arith.index_cast %scan3A_232 : i32 to index
      %get3A_333 = arith.constant 112 : index
      %get3A_334 = tpu.vector_load %arg8[%get3A_331, %get3A_332, %get3A_333] {strides = array<i32>} : memref<2x64x256xf32, #tpu.memory_space<vmem>>, vector<1x1x16xf32>,
      %get3A_335 = vector.shape_cast %get3A_334 : vector<1x1x16xf32> to vector<16xf32>
      %get3A_336 = arith.constant 1 : i32
      %get3A_337 = arith.index_cast %get3A_336 : i32 to index
      %get3A_338 = arith.index_cast %scan3A_232 : i32 to index
      %get3A_339 = arith.constant 112 : index
      %get3A_340 = tpu.vector_load %arg9[%get3A_337, %get3A_338, %get3A_339] {strides = array<i32>} : memref<2x64x256xf32, #tpu.memory_space<vmem>>, vector<1x1x16xf32>,
      %get3A_341 = vector.shape_cast %get3A_340 : vector<1x1x16xf32> to vector<16xf32>
      %sub3A_342 = arith.subf %get3A_335, %get3A_341 : vector<16xf32>
      %mul3A_343 = arith.mulf %sub3A_342, %sub3A_342 : vector<16xf32>
      %get3A_344 = arith.constant 1 : i32
      %get3A_345 = arith.index_cast %get3A_344 : i32 to index
      %get3A_346 = arith.index_cast %scan3A_232 : i32 to index
      %get3A_347 = arith.constant 128 : index
      %get3A_348 = tpu.vector_load %arg8[%get3A_345, %get3A_346, %get3A_347] {strides = array<i32>} : memref<2x64x256xf32, #tpu.memory_space<vmem>>, vector<1x1x16xf32>,
      %get3A_349 = vector.shape_cast %get3A_348 : vector<1x1x16xf32> to vector<16xf32>
      %get3A_350 = arith.constant 1 : i32
      %get3A_351 = arith.index_cast %get3A_350 : i32 to index
      %get3A_352 = arith.index_cast %scan3A_232 : i32 to index
      %get3A_353 = arith.constant 128 : index
      %get3A_354 = tpu.vector_load %arg9[%get3A_351, %get3A_352, %get3A_353] {strides = array<i32>} : memref<2x64x256xf32, #tpu.memory_space<vmem>>, vector<1x1x16xf32>,
      %get3A_355 = vector.shape_cast %get3A_354 : vector<1x1x16xf32> to vector<16xf32>
      %sub3A_356 = arith.subf %get3A_349, %get3A_355 : vector<16xf32>
      %mul3A_357 = arith.mulf %sub3A_356, %sub3A_356 : vector<16xf32>
      %get3A_358 = arith.constant 1 : i32
      %get3A_359 = arith.index_cast %get3A_358 : i32 to index
      %get3A_360 = arith.index_cast %scan3A_232 : i32 to index
      %get3A_361 = arith.constant 144 : index
      %get3A_362 = tpu.vector_load %arg8[%get3A_359, %get3A_360, %get3A_361] {strides = array<i32>} : memref<2x64x256xf32, #tpu.memory_space<vmem>>, vector<1x1x16xf32>,
      %get3A_363 = vector.shape_cast %get3A_362 : vector<1x1x16xf32> to vector<16xf32>
      %get3A_364 = arith.constant 1 : i32
      %get3A_365 = arith.index_cast %get3A_364 : i32 to index
      %get3A_366 = arith.index_cast %scan3A_232 : i32 to index
      %get3A_367 = arith.constant 144 : index
      %get3A_368 = tpu.vector_load %arg9[%get3A_365, %get3A_366, %get3A_367] {strides = array<i32>} : memref<2x64x256xf32, #tpu.memory_space<vmem>>, vector<1x1x16xf32>,
      %get3A_369 = vector.shape_cast %get3A_368 : vector<1x1x16xf32> to vector<16xf32>
      %sub3A_370 = arith.subf %get3A_363, %get3A_369 : vector<16xf32>
      %mul3A_371 = arith.mulf %sub3A_370, %sub3A_370 : vector<16xf32>
      %get3A_372 = arith.constant 1 : i32
      %get3A_373 = arith.index_cast %get3A_372 : i32 to index
      %get3A_374 = arith.index_cast %scan3A_232 : i32 to index
      %get3A_375 = arith.constant 160 : index
      %get3A_376 = tpu.vector_load %arg8[%get3A_373, %get3A_374, %get3A_375] {strides = array<i32>} : memref<2x64x256xf32, #tpu.memory_space<vmem>>, vector<1x1x16xf32>,
      %get3A_377 = vector.shape_cast %get3A_376 : vector<1x1x16xf32> to vector<16xf32>
      %get3A_378 = arith.constant 1 : i32
      %get3A_379 = arith.index_cast %get3A_378 : i32 to index
      %get3A_380 = arith.index_cast %scan3A_232 : i32 to index
      %get3A_381 = arith.constant 160 : index
      %get3A_382 = tpu.vector_load %arg9[%get3A_379, %get3A_380, %get3A_381] {strides = array<i32>} : memref<2x64x256xf32, #tpu.memory_space<vmem>>, vector<1x1x16xf32>,
      %get3A_383 = vector.shape_cast %get3A_382 : vector<1x1x16xf32> to vector<16xf32>
      %sub3A_384 = arith.subf %get3A_377, %get3A_383 : vector<16xf32>
      %mul3A_385 = arith.mulf %sub3A_384, %sub3A_384 : vector<16xf32>
      %get3A_386 = arith.constant 1 : i32
      %get3A_387 = arith.index_cast %get3A_386 : i32 to index
      %get3A_388 = arith.index_cast %scan3A_232 : i32 to index
      %get3A_389 = arith.constant 176 : index
      %get3A_390 = tpu.vector_load %arg8[%get3A_387, %get3A_388, %get3A_389] {strides = array<i32>} : memref<2x64x256xf32, #tpu.memory_space<vmem>>, vector<1x1x16xf32>,
      %get3A_391 = vector.shape_cast %get3A_390 : vector<1x1x16xf32> to vector<16xf32>
      %get3A_392 = arith.constant 1 : i32
      %get3A_393 = arith.index_cast %get3A_392 : i32 to index
      %get3A_394 = arith.index_cast %scan3A_232 : i32 to index
      %get3A_395 = arith.constant 176 : index
      %get3A_396 = tpu.vector_load %arg9[%get3A_393, %get3A_394, %get3A_395] {strides = array<i32>} : memref<2x64x256xf32, #tpu.memory_space<vmem>>, vector<1x1x16xf32>,
      %get3A_397 = vector.shape_cast %get3A_396 : vector<1x1x16xf32> to vector<16xf32>
      %sub3A_398 = arith.subf %get3A_391, %get3A_397 : vector<16xf32>
      %mul3A_399 = arith.mulf %sub3A_398, %sub3A_398 : vector<16xf32>
      %get3A_400 = arith.constant 1 : i32
      %get3A_401 = arith.index_cast %get3A_400 : i32 to index
      %get3A_402 = arith.index_cast %scan3A_232 : i32 to index
      %get3A_403 = arith.constant 192 : index
      %get3A_404 = tpu.vector_load %arg8[%get3A_401, %get3A_402, %get3A_403] {strides = array<i32>} : memref<2x64x256xf32, #tpu.memory_space<vmem>>, vector<1x1x16xf32>,
      %get3A_405 = vector.shape_cast %get3A_404 : vector<1x1x16xf32> to vector<16xf32>
      %get3A_406 = arith.constant 1 : i32
      %get3A_407 = arith.index_cast %get3A_406 : i32 to index
      %get3A_408 = arith.index_cast %scan3A_232 : i32 to index
      %get3A_409 = arith.constant 192 : index
      %get3A_410 = tpu.vector_load %arg9[%get3A_407, %get3A_408, %get3A_409] {strides = array<i32>} : memref<2x64x256xf32, #tpu.memory_space<vmem>>, vector<1x1x16xf32>,
      %get3A_411 = vector.shape_cast %get3A_410 : vector<1x1x16xf32> to vector<16xf32>
      %sub3A_412 = arith.subf %get3A_405, %get3A_411 : vector<16xf32>
      %mul3A_413 = arith.mulf %sub3A_412, %sub3A_412 : vector<16xf32>
      %get3A_414 = arith.constant 1 : i32
      %get3A_415 = arith.index_cast %get3A_414 : i32 to index
      %get3A_416 = arith.index_cast %scan3A_232 : i32 to index
      %get3A_417 = arith.constant 208 : index
      %get3A_418 = tpu.vector_load %arg8[%get3A_415, %get3A_416, %get3A_417] {strides = array<i32>} : memref<2x64x256xf32, #tpu.memory_space<vmem>>, vector<1x1x16xf32>,
      %get3A_419 = vector.shape_cast %get3A_418 : vector<1x1x16xf32> to vector<16xf32>
      %get3A_420 = arith.constant 1 : i32
      %get3A_421 = arith.index_cast %get3A_420 : i32 to index
      %get3A_422 = arith.index_cast %scan3A_232 : i32 to index
      %get3A_423 = arith.constant 208 : index
      %get3A_424 = tpu.vector_load %arg9[%get3A_421, %get3A_422, %get3A_423] {strides = array<i32>} : memref<2x64x256xf32, #tpu.memory_space<vmem>>, vector<1x1x16xf32>,
      %get3A_425 = vector.shape_cast %get3A_424 : vector<1x1x16xf32> to vector<16xf32>
      %sub3A_426 = arith.subf %get3A_419, %get3A_425 : vector<16xf32>
      %mul3A_427 = arith.mulf %sub3A_426, %sub3A_426 : vector<16xf32>
      %get3A_428 = arith.constant 1 : i32
      %get3A_429 = arith.index_cast %get3A_428 : i32 to index
      %get3A_430 = arith.index_cast %scan3A_232 : i32 to index
      %get3A_431 = arith.constant 224 : index
      %get3A_432 = tpu.vector_load %arg8[%get3A_429, %get3A_430, %get3A_431] {strides = array<i32>} : memref<2x64x256xf32, #tpu.memory_space<vmem>>, vector<1x1x16xf32>,
      %get3A_433 = vector.shape_cast %get3A_432 : vector<1x1x16xf32> to vector<16xf32>
      %get3A_434 = arith.constant 1 : i32
      %get3A_435 = arith.index_cast %get3A_434 : i32 to index
      %get3A_436 = arith.index_cast %scan3A_232 : i32 to index
      %get3A_437 = arith.constant 224 : index
      %get3A_438 = tpu.vector_load %arg9[%get3A_435, %get3A_436, %get3A_437] {strides = array<i32>} : memref<2x64x256xf32, #tpu.memory_space<vmem>>, vector<1x1x16xf32>,
      %get3A_439 = vector.shape_cast %get3A_438 : vector<1x1x16xf32> to vector<16xf32>
      %sub3A_440 = arith.subf %get3A_433, %get3A_439 : vector<16xf32>
      %mul3A_441 = arith.mulf %sub3A_440, %sub3A_440 : vector<16xf32>
      %get3A_442 = arith.constant 1 : i32
      %get3A_443 = arith.index_cast %get3A_442 : i32 to index
      %get3A_444 = arith.index_cast %scan3A_232 : i32 to index
      %get3A_445 = arith.constant 240 : index
      %get3A_446 = tpu.vector_load %arg8[%get3A_443, %get3A_444, %get3A_445] {strides = array<i32>} : memref<2x64x256xf32, #tpu.memory_space<vmem>>, vector<1x1x16xf32>,
      %get3A_447 = vector.shape_cast %get3A_446 : vector<1x1x16xf32> to vector<16xf32>
      %get3A_448 = arith.constant 1 : i32
      %get3A_449 = arith.index_cast %get3A_448 : i32 to index
      %get3A_450 = arith.index_cast %scan3A_232 : i32 to index
      %get3A_451 = arith.constant 240 : index
      %get3A_452 = tpu.vector_load %arg9[%get3A_449, %get3A_450, %get3A_451] {strides = array<i32>} : memref<2x64x256xf32, #tpu.memory_space<vmem>>, vector<1x1x16xf32>,
      %get3A_453 = vector.shape_cast %get3A_452 : vector<1x1x16xf32> to vector<16xf32>
      %sub3A_454 = arith.subf %get3A_447, %get3A_453 : vector<16xf32>
      %mul3A_455 = arith.mulf %sub3A_454, %sub3A_454 : vector<16xf32>
      %add3A_456 = arith.addf %mul3A_245, %mul3A_259 : vector<16xf32>
      %add3A_457 = arith.addf %mul3A_273, %mul3A_287 : vector<16xf32>
      %add3A_458 = arith.addf %mul3A_301, %mul3A_315 : vector<16xf32>
      %add3A_459 = arith.addf %mul3A_329, %mul3A_343 : vector<16xf32>
      %add3A_460 = arith.addf %mul3A_357, %mul3A_371 : vector<16xf32>
      %add3A_461 = arith.addf %mul3A_385, %mul3A_399 : vector<16xf32>
      %add3A_462 = arith.addf %mul3A_413, %mul3A_427 : vector<16xf32>
      %add3A_463 = arith.addf %mul3A_441, %mul3A_455 : vector<16xf32>
      %add3A_464 = arith.addf %add3A_456, %add3A_457 : vector<16xf32>
      %add3A_465 = arith.addf %add3A_458, %add3A_459 : vector<16xf32>
      %add3A_466 = arith.addf %add3A_460, %add3A_461 : vector<16xf32>
      %add3A_467 = arith.addf %add3A_462, %add3A_463 : vector<16xf32>
      %add3A_468 = arith.addf %add3A_464, %add3A_465 : vector<16xf32>
      %add3A_469 = arith.addf %add3A_466, %add3A_467 : vector<16xf32>
      %add3A_470 = arith.addf %add3A_468, %add3A_469 : vector<16xf32>
      %add3A_471 = arith.addf %scan3A_233, %add3A_470 : vector<16xf32>
      scf.yield %add3A_471 : vector<16xf32>
    }
    %scan3A_136 = arith.constant 64 : i32
    %add3A_137 = arith.constant 64 : i32
    %add3A_138 = arith.addi %mul3A_2, %add3A_137 : i32
    %run_scoped3A_139 = arith.constant 1 : i32
    "tpu.region"() ({
      %run_scoped3A_232 = tpu.sem_alloc : memref<!tpu.dma_semaphore, #tpu.memory_space<semaphore_mem>>
      %dma_start3A_233 = arith.constant 0 : i32
      %dma_start3A_234 = arith.constant 0 : i32
      %dma_start3A_235 = tpu.memref_slice %arg8[%run_scoped3A_139, %dma_start3A_233, %dma_start3A_234] : memref<2x64x256xf32, #tpu.memory_space<vmem>> -> memref<1x64x256xf32, #tpu.memory_space<vmem>>
      %dma_start3A_236 = tpu.memref_squeeze %dma_start3A_235 : memref<1x64x256xf32, #tpu.memory_space<vmem>> -> memref<64x256xf32, #tpu.memory_space<vmem>>
      %dma_start3A_237 = arith.constant 0 : i32
      %dma_start3A_238 = tpu.memref_slice %arg5[%add3A_138, %dma_start3A_237] : memref<8192x256xf32, #tpu.memory_space<hbm>> -> memref<64x256xf32, #tpu.memory_space<hbm>>
      %dma_start3A_239 = arith.constant 0 : i32
      %dma_start3A_240 = tpu.memref_slice %arg5[%add3A_138, %dma_start3A_239] : memref<8192x256xf32, #tpu.memory_space<hbm>> -> memref<64x256xf32, #tpu.memory_space<hbm>>
      %dma_start3A_241 = arith.constant 0 : i32
      %dma_start3A_242 = arith.constant 0 : i32
      %dma_start3A_243 = tpu.memref_slice %arg8[%run_scoped3A_139, %dma_start3A_241, %dma_start3A_242] : memref<2x64x256xf32, #tpu.memory_space<vmem>> -> memref<1x64x256xf32, #tpu.memory_space<vmem>>
      %dma_start3A_244 = tpu.memref_squeeze %dma_start3A_243 : memref<1x64x256xf32, #tpu.memory_space<vmem>> -> memref<64x256xf32, #tpu.memory_space<vmem>>
      tpu.enqueue_dma source(%dma_start3A_244 : memref<64x256xf32, #tpu.memory_space<vmem>>) target(%dma_start3A_240 : memref<64x256xf32, #tpu.memory_space<hbm>>) target_semaphore(%run_scoped3A_232 : memref<!tpu.dma_semaphore, #tpu.memory_space<semaphore_mem>>)
      %dma_wait3A_245 = arith.constant 0 : i32
      %dma_wait3A_246 = arith.constant 0 : i32
      %dma_wait3A_247 = tpu.memref_slice %arg8[%run_scoped3A_139, %dma_wait3A_245, %dma_wait3A_246] : memref<2x64x256xf32, #tpu.memory_space<vmem>> -> memref<1x64x256xf32, #tpu.memory_space<vmem>>
      %dma_wait3A_248 = tpu.memref_squeeze %dma_wait3A_247 : memref<1x64x256xf32, #tpu.memory_space<vmem>> -> memref<64x256xf32, #tpu.memory_space<vmem>>
      %dma_wait3A_249 = arith.constant 0 : i32
      %dma_wait3A_250 = tpu.memref_slice %arg5[%add3A_138, %dma_wait3A_249] : memref<8192x256xf32, #tpu.memory_space<hbm>> -> memref<64x256xf32, #tpu.memory_space<hbm>>
      %dma_wait3A_251 = arith.constant 0 : i32
      %dma_wait3A_252 = tpu.memref_slice %arg5[%add3A_138, %dma_wait3A_251] : memref<8192x256xf32, #tpu.memory_space<hbm>> -> memref<64x256xf32, #tpu.memory_space<hbm>>
      %dma_wait3A_253 = arith.constant 0 : i32
      %dma_wait3A_254 = arith.constant 0 : i32
      %dma_wait3A_255 = tpu.memref_slice %arg8[%run_scoped3A_139, %dma_wait3A_253, %dma_wait3A_254] : memref<2x64x256xf32, #tpu.memory_space<vmem>> -> memref<1x64x256xf32, #tpu.memory_space<vmem>>
      %dma_wait3A_256 = tpu.memref_squeeze %dma_wait3A_255 : memref<1x64x256xf32, #tpu.memory_space<vmem>> -> memref<64x256xf32, #tpu.memory_space<vmem>>
      tpu.wait_dma2 semaphore(%run_scoped3A_232 : memref<!tpu.dma_semaphore, #tpu.memory_space<semaphore_mem>>) src(%dma_wait3A_256 : memref<64x256xf32, #tpu.memory_space<vmem>>) dst(%dma_wait3A_252 : memref<64x256xf32, #tpu.memory_space<hbm>>)
      tpu.yield
    }) : () -> ()
    %dma_wait3A_140 = arith.constant 0 : i32
    %dma_wait3A_141 = arith.constant 0 : i32
    %dma_wait3A_142 = arith.constant 0 : i32
    %dma_wait3A_143 = tpu.memref_slice %arg8[%dma_wait3A_140, %dma_wait3A_141, %dma_wait3A_142] : memref<2x64x256xf32, #tpu.memory_space<vmem>> -> memref<1x64x256xf32, #tpu.memory_space<vmem>>
    %dma_wait3A_144 = tpu.memref_squeeze %dma_wait3A_143 : memref<1x64x256xf32, #tpu.memory_space<vmem>> -> memref<64x256xf32, #tpu.memory_space<vmem>>
    %dma_wait3A_145 = arith.constant 128 : i32
    %dma_wait3A_146 = tpu.memref_slice %arg7[%dma_wait3A_145] : memref<256xi32, #tpu.memory_space<vmem>> -> memref<64xi32, #tpu.memory_space<vmem>>
    %dma_wait3A_147 = arith.constant 0 : i32
    %dma_wait3A_148 = arith.constant 0 : i32
    %dma_wait3A_149 = tpu.memref_slice %arg2[%dma_wait3A_147, %dma_wait3A_148] : memref<8192x256xf32, #tpu.memory_space<hbm>> -> memref<8192x256xf32, #tpu.memory_space<hbm>>
    tpu.wait_indirect_dma semaphore(%arg11 : memref<!tpu.dma_semaphore, #tpu.memory_space<semaphore_mem>>) src(%dma_wait3A_149 : memref<8192x256xf32, #tpu.memory_space<hbm>>) dst(%dma_wait3A_144 : memref<64x256xf32, #tpu.memory_space<vmem>>)
    %dma_wait3A_150 = arith.constant 0 : i32
    %dma_wait3A_151 = arith.constant 0 : i32
    %dma_wait3A_152 = arith.constant 0 : i32
    %dma_wait3A_153 = tpu.memref_slice %arg9[%dma_wait3A_150, %dma_wait3A_151, %dma_wait3A_152] : memref<2x64x256xf32, #tpu.memory_space<vmem>> -> memref<1x64x256xf32, #tpu.memory_space<vmem>>
    %dma_wait3A_154 = tpu.memref_squeeze %dma_wait3A_153 : memref<1x64x256xf32, #tpu.memory_space<vmem>> -> memref<64x256xf32, #tpu.memory_space<vmem>>
    %dma_wait3A_155 = arith.constant 0 : i32
    %dma_wait3A_156 = tpu.memref_slice %arg4[%add3A_117, %dma_wait3A_155] : memref<8192x256xf32, #tpu.memory_space<hbm>> -> memref<64x256xf32, #tpu.memory_space<hbm>>
    %dma_wait3A_157 = arith.constant 0 : i32
    %dma_wait3A_158 = arith.constant 0 : i32
    %dma_wait3A_159 = tpu.memref_slice %arg9[%dma_wait3A_150, %dma_wait3A_157, %dma_wait3A_158] : memref<2x64x256xf32, #tpu.memory_space<vmem>> -> memref<1x64x256xf32, #tpu.memory_space<vmem>>
    %dma_wait3A_160 = tpu.memref_squeeze %dma_wait3A_159 : memref<1x64x256xf32, #tpu.memory_space<vmem>> -> memref<64x256xf32, #tpu.memory_space<vmem>>
    %dma_wait3A_161 = arith.constant 0 : i32
    %dma_wait3A_162 = tpu.memref_slice %arg4[%add3A_117, %dma_wait3A_161] : memref<8192x256xf32, #tpu.memory_space<hbm>> -> memref<64x256xf32, #tpu.memory_space<hbm>>
    tpu.wait_dma2 semaphore(%arg13 : memref<!tpu.dma_semaphore, #tpu.memory_space<semaphore_mem>>) src(%dma_wait3A_162 : memref<64x256xf32, #tpu.memory_space<hbm>>) dst(%dma_wait3A_160 : memref<64x256xf32, #tpu.memory_space<vmem>>)
    %dma_start3A_163 = arith.constant 1 : i32
    %dma_start3A_164 = arith.constant 0 : i32
    %dma_start3A_165 = arith.constant 0 : i32
    %dma_start3A_166 = tpu.memref_slice %arg8[%dma_start3A_163, %dma_start3A_164, %dma_start3A_165] : memref<2x64x256xf32, #tpu.memory_space<vmem>> -> memref<1x64x256xf32, #tpu.memory_space<vmem>>
    %dma_start3A_167 = tpu.memref_squeeze %dma_start3A_166 : memref<1x64x256xf32, #tpu.memory_space<vmem>> -> memref<64x256xf32, #tpu.memory_space<vmem>>
    %dma_start3A_168 = arith.constant 192 : i32
    %dma_start3A_169 = tpu.memref_slice %arg7[%dma_start3A_168] : memref<256xi32, #tpu.memory_space<vmem>> -> memref<64xi32, #tpu.memory_space<vmem>>
    %dma_start3A_170 = arith.constant 0 : i32
    %dma_start3A_171 = arith.constant 0 : i32
    %dma_start3A_172 = tpu.memref_slice %arg2[%dma_start3A_170, %dma_start3A_171] : memref<8192x256xf32, #tpu.memory_space<hbm>> -> memref<8192x256xf32, #tpu.memory_space<hbm>>
    tpu.enqueue_indirect_dma source(%dma_start3A_172 : memref<8192x256xf32, #tpu.memory_space<hbm>>) target(%dma_start3A_167 : memref<64x256xf32, #tpu.memory_space<vmem>>) offsets(%dma_start3A_169 : memref<64xi32, #tpu.memory_space<vmem>>) semaphore(%arg12 : memref<!tpu.dma_semaphore, #tpu.memory_space<semaphore_mem>>)
    %add3A_173 = arith.constant 192 : i32
    %add3A_174 = arith.addi %mul3A_2, %add3A_173 : i32
    %dma_start3A_175 = arith.constant 1 : i32
    %dma_start3A_176 = arith.constant 0 : i32
    %dma_start3A_177 = arith.constant 0 : i32
    %dma_start3A_178 = tpu.memref_slice %arg9[%dma_start3A_175, %dma_start3A_176, %dma_start3A_177] : memref<2x64x256xf32, #tpu.memory_space<vmem>> -> memref<1x64x256xf32, #tpu.memory_space<vmem>>
    %dma_start3A_179 = tpu.memref_squeeze %dma_start3A_178 : memref<1x64x256xf32, #tpu.memory_space<vmem>> -> memref<64x256xf32, #tpu.memory_space<vmem>>
    %dma_start3A_180 = arith.constant 0 : i32
    %dma_start3A_181 = tpu.memref_slice %arg4[%add3A_174, %dma_start3A_180] : memref<8192x256xf32, #tpu.memory_space<hbm>> -> memref<64x256xf32, #tpu.memory_space<hbm>>
    %dma_start3A_182 = arith.constant 0 : i32
    %dma_start3A_183 = arith.constant 0 : i32
    %dma_start3A_184 = tpu.memref_slice %arg9[%dma_start3A_175, %dma_start3A_182, %dma_start3A_183] : memref<2x64x256xf32, #tpu.memory_space<vmem>> -> memref<1x64x256xf32, #tpu.memory_space<vmem>>
    %dma_start3A_185 = tpu.memref_squeeze %dma_start3A_184 : memref<1x64x256xf32, #tpu.memory_space<vmem>> -> memref<64x256xf32, #tpu.memory_space<vmem>>
    %dma_start3A_186 = arith.constant 0 : i32
    %dma_start3A_187 = tpu.memref_slice %arg4[%add3A_174, %dma_start3A_186] : memref<8192x256xf32, #tpu.memory_space<hbm>> -> memref<64x256xf32, #tpu.memory_space<hbm>>
    tpu.enqueue_dma source(%dma_start3A_187 : memref<64x256xf32, #tpu.memory_space<hbm>>) target(%dma_start3A_185 : memref<64x256xf32, #tpu.memory_space<vmem>>) target_semaphore(%arg14 : memref<!tpu.dma_semaphore, #tpu.memory_space<semaphore_mem>>)
    %scan3A_188 = arith.constant 0 : i32
    %scan3A_189 = arith.constant 64 : i32
    %scan3A_190 = arith.addi %scan3A_188, %scan3A_189 : i32
    %scan3A_191 = arith.constant 1 : i32
    %scan3A_192 = scf.for %scan3A_232 = %scan3A_188 to %scan3A_190 step %scan3A_191 iter_args(%scan3A_233 = %scan3A_135) -> (vector<16xf32>)  : i32 {
      %get3A = arith.constant 0 : i32
      %get3A_234 = arith.index_cast %get3A : i32 to index
      %get3A_235 = arith.index_cast %scan3A_232 : i32 to index
      %get3A_236 = arith.constant 0 : index
      %get3A_237 = tpu.vector_load %arg8[%get3A_234, %get3A_235, %get3A_236] {strides = array<i32>} : memref<2x64x256xf32, #tpu.memory_space<vmem>>, vector<1x1x16xf32>,
      %get3A_238 = vector.shape_cast %get3A_237 : vector<1x1x16xf32> to vector<16xf32>
      %get3A_239 = arith.constant 0 : i32
      %get3A_240 = arith.index_cast %get3A_239 : i32 to index
      %get3A_241 = arith.index_cast %scan3A_232 : i32 to index
      %get3A_242 = arith.constant 0 : index
      %get3A_243 = tpu.vector_load %arg9[%get3A_240, %get3A_241, %get3A_242] {strides = array<i32>} : memref<2x64x256xf32, #tpu.memory_space<vmem>>, vector<1x1x16xf32>,
      %get3A_244 = vector.shape_cast %get3A_243 : vector<1x1x16xf32> to vector<16xf32>
      %sub3A = arith.subf %get3A_238, %get3A_244 : vector<16xf32>
      %mul3A_245 = arith.mulf %sub3A, %sub3A : vector<16xf32>
      %get3A_246 = arith.constant 0 : i32
      %get3A_247 = arith.index_cast %get3A_246 : i32 to index
      %get3A_248 = arith.index_cast %scan3A_232 : i32 to index
      %get3A_249 = arith.constant 16 : index
      %get3A_250 = tpu.vector_load %arg8[%get3A_247, %get3A_248, %get3A_249] {strides = array<i32>} : memref<2x64x256xf32, #tpu.memory_space<vmem>>, vector<1x1x16xf32>,
      %get3A_251 = vector.shape_cast %get3A_250 : vector<1x1x16xf32> to vector<16xf32>
      %get3A_252 = arith.constant 0 : i32
      %get3A_253 = arith.index_cast %get3A_252 : i32 to index
      %get3A_254 = arith.index_cast %scan3A_232 : i32 to index
      %get3A_255 = arith.constant 16 : index
      %get3A_256 = tpu.vector_load %arg9[%get3A_253, %get3A_254, %get3A_255] {strides = array<i32>} : memref<2x64x256xf32, #tpu.memory_space<vmem>>, vector<1x1x16xf32>,
      %get3A_257 = vector.shape_cast %get3A_256 : vector<1x1x16xf32> to vector<16xf32>
      %sub3A_258 = arith.subf %get3A_251, %get3A_257 : vector<16xf32>
      %mul3A_259 = arith.mulf %sub3A_258, %sub3A_258 : vector<16xf32>
      %get3A_260 = arith.constant 0 : i32
      %get3A_261 = arith.index_cast %get3A_260 : i32 to index
      %get3A_262 = arith.index_cast %scan3A_232 : i32 to index
      %get3A_263 = arith.constant 32 : index
      %get3A_264 = tpu.vector_load %arg8[%get3A_261, %get3A_262, %get3A_263] {strides = array<i32>} : memref<2x64x256xf32, #tpu.memory_space<vmem>>, vector<1x1x16xf32>,
      %get3A_265 = vector.shape_cast %get3A_264 : vector<1x1x16xf32> to vector<16xf32>
      %get3A_266 = arith.constant 0 : i32
      %get3A_267 = arith.index_cast %get3A_266 : i32 to index
      %get3A_268 = arith.index_cast %scan3A_232 : i32 to index
      %get3A_269 = arith.constant 32 : index
      %get3A_270 = tpu.vector_load %arg9[%get3A_267, %get3A_268, %get3A_269] {strides = array<i32>} : memref<2x64x256xf32, #tpu.memory_space<vmem>>, vector<1x1x16xf32>,
      %get3A_271 = vector.shape_cast %get3A_270 : vector<1x1x16xf32> to vector<16xf32>
      %sub3A_272 = arith.subf %get3A_265, %get3A_271 : vector<16xf32>
      %mul3A_273 = arith.mulf %sub3A_272, %sub3A_272 : vector<16xf32>
      %get3A_274 = arith.constant 0 : i32
      %get3A_275 = arith.index_cast %get3A_274 : i32 to index
      %get3A_276 = arith.index_cast %scan3A_232 : i32 to index
      %get3A_277 = arith.constant 48 : index
      %get3A_278 = tpu.vector_load %arg8[%get3A_275, %get3A_276, %get3A_277] {strides = array<i32>} : memref<2x64x256xf32, #tpu.memory_space<vmem>>, vector<1x1x16xf32>,
      %get3A_279 = vector.shape_cast %get3A_278 : vector<1x1x16xf32> to vector<16xf32>
      %get3A_280 = arith.constant 0 : i32
      %get3A_281 = arith.index_cast %get3A_280 : i32 to index
      %get3A_282 = arith.index_cast %scan3A_232 : i32 to index
      %get3A_283 = arith.constant 48 : index
      %get3A_284 = tpu.vector_load %arg9[%get3A_281, %get3A_282, %get3A_283] {strides = array<i32>} : memref<2x64x256xf32, #tpu.memory_space<vmem>>, vector<1x1x16xf32>,
      %get3A_285 = vector.shape_cast %get3A_284 : vector<1x1x16xf32> to vector<16xf32>
      %sub3A_286 = arith.subf %get3A_279, %get3A_285 : vector<16xf32>
      %mul3A_287 = arith.mulf %sub3A_286, %sub3A_286 : vector<16xf32>
      %get3A_288 = arith.constant 0 : i32
      %get3A_289 = arith.index_cast %get3A_288 : i32 to index
      %get3A_290 = arith.index_cast %scan3A_232 : i32 to index
      %get3A_291 = arith.constant 64 : index
      %get3A_292 = tpu.vector_load %arg8[%get3A_289, %get3A_290, %get3A_291] {strides = array<i32>} : memref<2x64x256xf32, #tpu.memory_space<vmem>>, vector<1x1x16xf32>,
      %get3A_293 = vector.shape_cast %get3A_292 : vector<1x1x16xf32> to vector<16xf32>
      %get3A_294 = arith.constant 0 : i32
      %get3A_295 = arith.index_cast %get3A_294 : i32 to index
      %get3A_296 = arith.index_cast %scan3A_232 : i32 to index
      %get3A_297 = arith.constant 64 : index
      %get3A_298 = tpu.vector_load %arg9[%get3A_295, %get3A_296, %get3A_297] {strides = array<i32>} : memref<2x64x256xf32, #tpu.memory_space<vmem>>, vector<1x1x16xf32>,
      %get3A_299 = vector.shape_cast %get3A_298 : vector<1x1x16xf32> to vector<16xf32>
      %sub3A_300 = arith.subf %get3A_293, %get3A_299 : vector<16xf32>
      %mul3A_301 = arith.mulf %sub3A_300, %sub3A_300 : vector<16xf32>
      %get3A_302 = arith.constant 0 : i32
      %get3A_303 = arith.index_cast %get3A_302 : i32 to index
      %get3A_304 = arith.index_cast %scan3A_232 : i32 to index
      %get3A_305 = arith.constant 80 : index
      %get3A_306 = tpu.vector_load %arg8[%get3A_303, %get3A_304, %get3A_305] {strides = array<i32>} : memref<2x64x256xf32, #tpu.memory_space<vmem>>, vector<1x1x16xf32>,
      %get3A_307 = vector.shape_cast %get3A_306 : vector<1x1x16xf32> to vector<16xf32>
      %get3A_308 = arith.constant 0 : i32
      %get3A_309 = arith.index_cast %get3A_308 : i32 to index
      %get3A_310 = arith.index_cast %scan3A_232 : i32 to index
      %get3A_311 = arith.constant 80 : index
      %get3A_312 = tpu.vector_load %arg9[%get3A_309, %get3A_310, %get3A_311] {strides = array<i32>} : memref<2x64x256xf32, #tpu.memory_space<vmem>>, vector<1x1x16xf32>,
      %get3A_313 = vector.shape_cast %get3A_312 : vector<1x1x16xf32> to vector<16xf32>
      %sub3A_314 = arith.subf %get3A_307, %get3A_313 : vector<16xf32>
      %mul3A_315 = arith.mulf %sub3A_314, %sub3A_314 : vector<16xf32>
      %get3A_316 = arith.constant 0 : i32
      %get3A_317 = arith.index_cast %get3A_316 : i32 to index
      %get3A_318 = arith.index_cast %scan3A_232 : i32 to index
      %get3A_319 = arith.constant 96 : index
      %get3A_320 = tpu.vector_load %arg8[%get3A_317, %get3A_318, %get3A_319] {strides = array<i32>} : memref<2x64x256xf32, #tpu.memory_space<vmem>>, vector<1x1x16xf32>,
      %get3A_321 = vector.shape_cast %get3A_320 : vector<1x1x16xf32> to vector<16xf32>
      %get3A_322 = arith.constant 0 : i32
      %get3A_323 = arith.index_cast %get3A_322 : i32 to index
      %get3A_324 = arith.index_cast %scan3A_232 : i32 to index
      %get3A_325 = arith.constant 96 : index
      %get3A_326 = tpu.vector_load %arg9[%get3A_323, %get3A_324, %get3A_325] {strides = array<i32>} : memref<2x64x256xf32, #tpu.memory_space<vmem>>, vector<1x1x16xf32>,
      %get3A_327 = vector.shape_cast %get3A_326 : vector<1x1x16xf32> to vector<16xf32>
      %sub3A_328 = arith.subf %get3A_321, %get3A_327 : vector<16xf32>
      %mul3A_329 = arith.mulf %sub3A_328, %sub3A_328 : vector<16xf32>
      %get3A_330 = arith.constant 0 : i32
      %get3A_331 = arith.index_cast %get3A_330 : i32 to index
      %get3A_332 = arith.index_cast %scan3A_232 : i32 to index
      %get3A_333 = arith.constant 112 : index
      %get3A_334 = tpu.vector_load %arg8[%get3A_331, %get3A_332, %get3A_333] {strides = array<i32>} : memref<2x64x256xf32, #tpu.memory_space<vmem>>, vector<1x1x16xf32>,
      %get3A_335 = vector.shape_cast %get3A_334 : vector<1x1x16xf32> to vector<16xf32>
      %get3A_336 = arith.constant 0 : i32
      %get3A_337 = arith.index_cast %get3A_336 : i32 to index
      %get3A_338 = arith.index_cast %scan3A_232 : i32 to index
      %get3A_339 = arith.constant 112 : index
      %get3A_340 = tpu.vector_load %arg9[%get3A_337, %get3A_338, %get3A_339] {strides = array<i32>} : memref<2x64x256xf32, #tpu.memory_space<vmem>>, vector<1x1x16xf32>,
      %get3A_341 = vector.shape_cast %get3A_340 : vector<1x1x16xf32> to vector<16xf32>
      %sub3A_342 = arith.subf %get3A_335, %get3A_341 : vector<16xf32>
      %mul3A_343 = arith.mulf %sub3A_342, %sub3A_342 : vector<16xf32>
      %get3A_344 = arith.constant 0 : i32
      %get3A_345 = arith.index_cast %get3A_344 : i32 to index
      %get3A_346 = arith.index_cast %scan3A_232 : i32 to index
      %get3A_347 = arith.constant 128 : index
      %get3A_348 = tpu.vector_load %arg8[%get3A_345, %get3A_346, %get3A_347] {strides = array<i32>} : memref<2x64x256xf32, #tpu.memory_space<vmem>>, vector<1x1x16xf32>,
      %get3A_349 = vector.shape_cast %get3A_348 : vector<1x1x16xf32> to vector<16xf32>
      %get3A_350 = arith.constant 0 : i32
      %get3A_351 = arith.index_cast %get3A_350 : i32 to index
      %get3A_352 = arith.index_cast %scan3A_232 : i32 to index
      %get3A_353 = arith.constant 128 : index
      %get3A_354 = tpu.vector_load %arg9[%get3A_351, %get3A_352, %get3A_353] {strides = array<i32>} : memref<2x64x256xf32, #tpu.memory_space<vmem>>, vector<1x1x16xf32>,
      %get3A_355 = vector.shape_cast %get3A_354 : vector<1x1x16xf32> to vector<16xf32>
      %sub3A_356 = arith.subf %get3A_349, %get3A_355 : vector<16xf32>
      %mul3A_357 = arith.mulf %sub3A_356, %sub3A_356 : vector<16xf32>
      %get3A_358 = arith.constant 0 : i32
      %get3A_359 = arith.index_cast %get3A_358 : i32 to index
      %get3A_360 = arith.index_cast %scan3A_232 : i32 to index
      %get3A_361 = arith.constant 144 : index
      %get3A_362 = tpu.vector_load %arg8[%get3A_359, %get3A_360, %get3A_361] {strides = array<i32>} : memref<2x64x256xf32, #tpu.memory_space<vmem>>, vector<1x1x16xf32>,
      %get3A_363 = vector.shape_cast %get3A_362 : vector<1x1x16xf32> to vector<16xf32>
      %get3A_364 = arith.constant 0 : i32
      %get3A_365 = arith.index_cast %get3A_364 : i32 to index
      %get3A_366 = arith.index_cast %scan3A_232 : i32 to index
      %get3A_367 = arith.constant 144 : index
      %get3A_368 = tpu.vector_load %arg9[%get3A_365, %get3A_366, %get3A_367] {strides = array<i32>} : memref<2x64x256xf32, #tpu.memory_space<vmem>>, vector<1x1x16xf32>,
      %get3A_369 = vector.shape_cast %get3A_368 : vector<1x1x16xf32> to vector<16xf32>
      %sub3A_370 = arith.subf %get3A_363, %get3A_369 : vector<16xf32>
      %mul3A_371 = arith.mulf %sub3A_370, %sub3A_370 : vector<16xf32>
      %get3A_372 = arith.constant 0 : i32
      %get3A_373 = arith.index_cast %get3A_372 : i32 to index
      %get3A_374 = arith.index_cast %scan3A_232 : i32 to index
      %get3A_375 = arith.constant 160 : index
      %get3A_376 = tpu.vector_load %arg8[%get3A_373, %get3A_374, %get3A_375] {strides = array<i32>} : memref<2x64x256xf32, #tpu.memory_space<vmem>>, vector<1x1x16xf32>,
      %get3A_377 = vector.shape_cast %get3A_376 : vector<1x1x16xf32> to vector<16xf32>
      %get3A_378 = arith.constant 0 : i32
      %get3A_379 = arith.index_cast %get3A_378 : i32 to index
      %get3A_380 = arith.index_cast %scan3A_232 : i32 to index
      %get3A_381 = arith.constant 160 : index
      %get3A_382 = tpu.vector_load %arg9[%get3A_379, %get3A_380, %get3A_381] {strides = array<i32>} : memref<2x64x256xf32, #tpu.memory_space<vmem>>, vector<1x1x16xf32>,
      %get3A_383 = vector.shape_cast %get3A_382 : vector<1x1x16xf32> to vector<16xf32>
      %sub3A_384 = arith.subf %get3A_377, %get3A_383 : vector<16xf32>
      %mul3A_385 = arith.mulf %sub3A_384, %sub3A_384 : vector<16xf32>
      %get3A_386 = arith.constant 0 : i32
      %get3A_387 = arith.index_cast %get3A_386 : i32 to index
      %get3A_388 = arith.index_cast %scan3A_232 : i32 to index
      %get3A_389 = arith.constant 176 : index
      %get3A_390 = tpu.vector_load %arg8[%get3A_387, %get3A_388, %get3A_389] {strides = array<i32>} : memref<2x64x256xf32, #tpu.memory_space<vmem>>, vector<1x1x16xf32>,
      %get3A_391 = vector.shape_cast %get3A_390 : vector<1x1x16xf32> to vector<16xf32>
      %get3A_392 = arith.constant 0 : i32
      %get3A_393 = arith.index_cast %get3A_392 : i32 to index
      %get3A_394 = arith.index_cast %scan3A_232 : i32 to index
      %get3A_395 = arith.constant 176 : index
      %get3A_396 = tpu.vector_load %arg9[%get3A_393, %get3A_394, %get3A_395] {strides = array<i32>} : memref<2x64x256xf32, #tpu.memory_space<vmem>>, vector<1x1x16xf32>,
      %get3A_397 = vector.shape_cast %get3A_396 : vector<1x1x16xf32> to vector<16xf32>
      %sub3A_398 = arith.subf %get3A_391, %get3A_397 : vector<16xf32>
      %mul3A_399 = arith.mulf %sub3A_398, %sub3A_398 : vector<16xf32>
      %get3A_400 = arith.constant 0 : i32
      %get3A_401 = arith.index_cast %get3A_400 : i32 to index
      %get3A_402 = arith.index_cast %scan3A_232 : i32 to index
      %get3A_403 = arith.constant 192 : index
      %get3A_404 = tpu.vector_load %arg8[%get3A_401, %get3A_402, %get3A_403] {strides = array<i32>} : memref<2x64x256xf32, #tpu.memory_space<vmem>>, vector<1x1x16xf32>,
      %get3A_405 = vector.shape_cast %get3A_404 : vector<1x1x16xf32> to vector<16xf32>
      %get3A_406 = arith.constant 0 : i32
      %get3A_407 = arith.index_cast %get3A_406 : i32 to index
      %get3A_408 = arith.index_cast %scan3A_232 : i32 to index
      %get3A_409 = arith.constant 192 : index
      %get3A_410 = tpu.vector_load %arg9[%get3A_407, %get3A_408, %get3A_409] {strides = array<i32>} : memref<2x64x256xf32, #tpu.memory_space<vmem>>, vector<1x1x16xf32>,
      %get3A_411 = vector.shape_cast %get3A_410 : vector<1x1x16xf32> to vector<16xf32>
      %sub3A_412 = arith.subf %get3A_405, %get3A_411 : vector<16xf32>
      %mul3A_413 = arith.mulf %sub3A_412, %sub3A_412 : vector<16xf32>
      %get3A_414 = arith.constant 0 : i32
      %get3A_415 = arith.index_cast %get3A_414 : i32 to index
      %get3A_416 = arith.index_cast %scan3A_232 : i32 to index
      %get3A_417 = arith.constant 208 : index
      %get3A_418 = tpu.vector_load %arg8[%get3A_415, %get3A_416, %get3A_417] {strides = array<i32>} : memref<2x64x256xf32, #tpu.memory_space<vmem>>, vector<1x1x16xf32>,
      %get3A_419 = vector.shape_cast %get3A_418 : vector<1x1x16xf32> to vector<16xf32>
      %get3A_420 = arith.constant 0 : i32
      %get3A_421 = arith.index_cast %get3A_420 : i32 to index
      %get3A_422 = arith.index_cast %scan3A_232 : i32 to index
      %get3A_423 = arith.constant 208 : index
      %get3A_424 = tpu.vector_load %arg9[%get3A_421, %get3A_422, %get3A_423] {strides = array<i32>} : memref<2x64x256xf32, #tpu.memory_space<vmem>>, vector<1x1x16xf32>,
      %get3A_425 = vector.shape_cast %get3A_424 : vector<1x1x16xf32> to vector<16xf32>
      %sub3A_426 = arith.subf %get3A_419, %get3A_425 : vector<16xf32>
      %mul3A_427 = arith.mulf %sub3A_426, %sub3A_426 : vector<16xf32>
      %get3A_428 = arith.constant 0 : i32
      %get3A_429 = arith.index_cast %get3A_428 : i32 to index
      %get3A_430 = arith.index_cast %scan3A_232 : i32 to index
      %get3A_431 = arith.constant 224 : index
      %get3A_432 = tpu.vector_load %arg8[%get3A_429, %get3A_430, %get3A_431] {strides = array<i32>} : memref<2x64x256xf32, #tpu.memory_space<vmem>>, vector<1x1x16xf32>,
      %get3A_433 = vector.shape_cast %get3A_432 : vector<1x1x16xf32> to vector<16xf32>
      %get3A_434 = arith.constant 0 : i32
      %get3A_435 = arith.index_cast %get3A_434 : i32 to index
      %get3A_436 = arith.index_cast %scan3A_232 : i32 to index
      %get3A_437 = arith.constant 224 : index
      %get3A_438 = tpu.vector_load %arg9[%get3A_435, %get3A_436, %get3A_437] {strides = array<i32>} : memref<2x64x256xf32, #tpu.memory_space<vmem>>, vector<1x1x16xf32>,
      %get3A_439 = vector.shape_cast %get3A_438 : vector<1x1x16xf32> to vector<16xf32>
      %sub3A_440 = arith.subf %get3A_433, %get3A_439 : vector<16xf32>
      %mul3A_441 = arith.mulf %sub3A_440, %sub3A_440 : vector<16xf32>
      %get3A_442 = arith.constant 0 : i32
      %get3A_443 = arith.index_cast %get3A_442 : i32 to index
      %get3A_444 = arith.index_cast %scan3A_232 : i32 to index
      %get3A_445 = arith.constant 240 : index
      %get3A_446 = tpu.vector_load %arg8[%get3A_443, %get3A_444, %get3A_445] {strides = array<i32>} : memref<2x64x256xf32, #tpu.memory_space<vmem>>, vector<1x1x16xf32>,
      %get3A_447 = vector.shape_cast %get3A_446 : vector<1x1x16xf32> to vector<16xf32>
      %get3A_448 = arith.constant 0 : i32
      %get3A_449 = arith.index_cast %get3A_448 : i32 to index
      %get3A_450 = arith.index_cast %scan3A_232 : i32 to index
      %get3A_451 = arith.constant 240 : index
      %get3A_452 = tpu.vector_load %arg9[%get3A_449, %get3A_450, %get3A_451] {strides = array<i32>} : memref<2x64x256xf32, #tpu.memory_space<vmem>>, vector<1x1x16xf32>,
      %get3A_453 = vector.shape_cast %get3A_452 : vector<1x1x16xf32> to vector<16xf32>
      %sub3A_454 = arith.subf %get3A_447, %get3A_453 : vector<16xf32>
      %mul3A_455 = arith.mulf %sub3A_454, %sub3A_454 : vector<16xf32>
      %add3A_456 = arith.addf %mul3A_245, %mul3A_259 : vector<16xf32>
      %add3A_457 = arith.addf %mul3A_273, %mul3A_287 : vector<16xf32>
      %add3A_458 = arith.addf %mul3A_301, %mul3A_315 : vector<16xf32>
      %add3A_459 = arith.addf %mul3A_329, %mul3A_343 : vector<16xf32>
      %add3A_460 = arith.addf %mul3A_357, %mul3A_371 : vector<16xf32>
      %add3A_461 = arith.addf %mul3A_385, %mul3A_399 : vector<16xf32>
      %add3A_462 = arith.addf %mul3A_413, %mul3A_427 : vector<16xf32>
      %add3A_463 = arith.addf %mul3A_441, %mul3A_455 : vector<16xf32>
      %add3A_464 = arith.addf %add3A_456, %add3A_457 : vector<16xf32>
      %add3A_465 = arith.addf %add3A_458, %add3A_459 : vector<16xf32>
      %add3A_466 = arith.addf %add3A_460, %add3A_461 : vector<16xf32>
      %add3A_467 = arith.addf %add3A_462, %add3A_463 : vector<16xf32>
      %add3A_468 = arith.addf %add3A_464, %add3A_465 : vector<16xf32>
      %add3A_469 = arith.addf %add3A_466, %add3A_467 : vector<16xf32>
      %add3A_470 = arith.addf %add3A_468, %add3A_469 : vector<16xf32>
      %add3A_471 = arith.addf %scan3A_233, %add3A_470 : vector<16xf32>
      scf.yield %add3A_471 : vector<16xf32>
    }
    %scan3A_193 = arith.constant 64 : i32
    %add3A_194 = arith.constant 128 : i32
    %add3A_195 = arith.addi %mul3A_2, %add3A_194 : i32
    %run_scoped3A_196 = arith.constant 0 : i32
    "tpu.region"() ({
      %run_scoped3A_232 = tpu.sem_alloc : memref<!tpu.dma_semaphore, #tpu.memory_space<semaphore_mem>>
      %dma_start3A_233 = arith.constant 0 : i32
      %dma_start3A_234 = arith.constant 0 : i32
      %dma_start3A_235 = tpu.memref_slice %arg8[%run_scoped3A_196, %dma_start3A_233, %dma_start3A_234] : memref<2x64x256xf32, #tpu.memory_space<vmem>> -> memref<1x64x256xf32, #tpu.memory_space<vmem>>
      %dma_start3A_236 = tpu.memref_squeeze %dma_start3A_235 : memref<1x64x256xf32, #tpu.memory_space<vmem>> -> memref<64x256xf32, #tpu.memory_space<vmem>>
      %dma_start3A_237 = arith.constant 0 : i32
      %dma_start3A_238 = tpu.memref_slice %arg5[%add3A_195, %dma_start3A_237] : memref<8192x256xf32, #tpu.memory_space<hbm>> -> memref<64x256xf32, #tpu.memory_space<hbm>>
      %dma_start3A_239 = arith.constant 0 : i32
      %dma_start3A_240 = tpu.memref_slice %arg5[%add3A_195, %dma_start3A_239] : memref<8192x256xf32, #tpu.memory_space<hbm>> -> memref<64x256xf32, #tpu.memory_space<hbm>>
      %dma_start3A_241 = arith.constant 0 : i32
      %dma_start3A_242 = arith.constant 0 : i32
      %dma_start3A_243 = tpu.memref_slice %arg8[%run_scoped3A_196, %dma_start3A_241, %dma_start3A_242] : memref<2x64x256xf32, #tpu.memory_space<vmem>> -> memref<1x64x256xf32, #tpu.memory_space<vmem>>
      %dma_start3A_244 = tpu.memref_squeeze %dma_start3A_243 : memref<1x64x256xf32, #tpu.memory_space<vmem>> -> memref<64x256xf32, #tpu.memory_space<vmem>>
      tpu.enqueue_dma source(%dma_start3A_244 : memref<64x256xf32, #tpu.memory_space<vmem>>) target(%dma_start3A_240 : memref<64x256xf32, #tpu.memory_space<hbm>>) target_semaphore(%run_scoped3A_232 : memref<!tpu.dma_semaphore, #tpu.memory_space<semaphore_mem>>)
      %dma_wait3A_245 = arith.constant 0 : i32
      %dma_wait3A_246 = arith.constant 0 : i32
      %dma_wait3A_247 = tpu.memref_slice %arg8[%run_scoped3A_196, %dma_wait3A_245, %dma_wait3A_246] : memref<2x64x256xf32, #tpu.memory_space<vmem>> -> memref<1x64x256xf32, #tpu.memory_space<vmem>>
      %dma_wait3A_248 = tpu.memref_squeeze %dma_wait3A_247 : memref<1x64x256xf32, #tpu.memory_space<vmem>> -> memref<64x256xf32, #tpu.memory_space<vmem>>
      %dma_wait3A_249 = arith.constant 0 : i32
      %dma_wait3A_250 = tpu.memref_slice %arg5[%add3A_195, %dma_wait3A_249] : memref<8192x256xf32, #tpu.memory_space<hbm>> -> memref<64x256xf32, #tpu.memory_space<hbm>>
      %dma_wait3A_251 = arith.constant 0 : i32
      %dma_wait3A_252 = tpu.memref_slice %arg5[%add3A_195, %dma_wait3A_251] : memref<8192x256xf32, #tpu.memory_space<hbm>> -> memref<64x256xf32, #tpu.memory_space<hbm>>
      %dma_wait3A_253 = arith.constant 0 : i32
      %dma_wait3A_254 = arith.constant 0 : i32
      %dma_wait3A_255 = tpu.memref_slice %arg8[%run_scoped3A_196, %dma_wait3A_253, %dma_wait3A_254] : memref<2x64x256xf32, #tpu.memory_space<vmem>> -> memref<1x64x256xf32, #tpu.memory_space<vmem>>
      %dma_wait3A_256 = tpu.memref_squeeze %dma_wait3A_255 : memref<1x64x256xf32, #tpu.memory_space<vmem>> -> memref<64x256xf32, #tpu.memory_space<vmem>>
      tpu.wait_dma2 semaphore(%run_scoped3A_232 : memref<!tpu.dma_semaphore, #tpu.memory_space<semaphore_mem>>) src(%dma_wait3A_256 : memref<64x256xf32, #tpu.memory_space<vmem>>) dst(%dma_wait3A_252 : memref<64x256xf32, #tpu.memory_space<hbm>>)
      tpu.yield
    }) : () -> ()
    %dma_wait3A_197 = arith.constant 1 : i32
    %dma_wait3A_198 = arith.constant 0 : i32
    %dma_wait3A_199 = arith.constant 0 : i32
    %dma_wait3A_200 = tpu.memref_slice %arg8[%dma_wait3A_197, %dma_wait3A_198, %dma_wait3A_199] : memref<2x64x256xf32, #tpu.memory_space<vmem>> -> memref<1x64x256xf32, #tpu.memory_space<vmem>>
    %dma_wait3A_201 = tpu.memref_squeeze %dma_wait3A_200 : memref<1x64x256xf32, #tpu.memory_space<vmem>> -> memref<64x256xf32, #tpu.memory_space<vmem>>
    %dma_wait3A_202 = arith.constant 192 : i32
    %dma_wait3A_203 = tpu.memref_slice %arg7[%dma_wait3A_202] : memref<256xi32, #tpu.memory_space<vmem>> -> memref<64xi32, #tpu.memory_space<vmem>>
    %dma_wait3A_204 = arith.constant 0 : i32
    %dma_wait3A_205 = arith.constant 0 : i32
    %dma_wait3A_206 = tpu.memref_slice %arg2[%dma_wait3A_204, %dma_wait3A_205] : memref<8192x256xf32, #tpu.memory_space<hbm>> -> memref<8192x256xf32, #tpu.memory_space<hbm>>
    tpu.wait_indirect_dma semaphore(%arg12 : memref<!tpu.dma_semaphore, #tpu.memory_space<semaphore_mem>>) src(%dma_wait3A_206 : memref<8192x256xf32, #tpu.memory_space<hbm>>) dst(%dma_wait3A_201 : memref<64x256xf32, #tpu.memory_space<vmem>>)
    %dma_wait3A_207 = arith.constant 1 : i32
    %dma_wait3A_208 = arith.constant 0 : i32
    %dma_wait3A_209 = arith.constant 0 : i32
    %dma_wait3A_210 = tpu.memref_slice %arg9[%dma_wait3A_207, %dma_wait3A_208, %dma_wait3A_209] : memref<2x64x256xf32, #tpu.memory_space<vmem>> -> memref<1x64x256xf32, #tpu.memory_space<vmem>>
    %dma_wait3A_211 = tpu.memref_squeeze %dma_wait3A_210 : memref<1x64x256xf32, #tpu.memory_space<vmem>> -> memref<64x256xf32, #tpu.memory_space<vmem>>
    %dma_wait3A_212 = arith.constant 0 : i32
    %dma_wait3A_213 = tpu.memref_slice %arg4[%add3A_174, %dma_wait3A_212] : memref<8192x256xf32, #tpu.memory_space<hbm>> -> memref<64x256xf32, #tpu.memory_space<hbm>>
    %dma_wait3A_214 = arith.constant 0 : i32
    %dma_wait3A_215 = arith.constant 0 : i32
    %dma_wait3A_216 = tpu.memref_slice %arg9[%dma_wait3A_207, %dma_wait3A_214, %dma_wait3A_215] : memref<2x64x256xf32, #tpu.memory_space<vmem>> -> memref<1x64x256xf32, #tpu.memory_space<vmem>>
    %dma_wait3A_217 = tpu.memref_squeeze %dma_wait3A_216 : memref<1x64x256xf32, #tpu.memory_space<vmem>> -> memref<64x256xf32, #tpu.memory_space<vmem>>
    %dma_wait3A_218 = arith.constant 0 : i32
    %dma_wait3A_219 = tpu.memref_slice %arg4[%add3A_174, %dma_wait3A_218] : memref<8192x256xf32, #tpu.memory_space<hbm>> -> memref<64x256xf32, #tpu.memory_space<hbm>>
    tpu.wait_dma2 semaphore(%arg14 : memref<!tpu.dma_semaphore, #tpu.memory_space<semaphore_mem>>) src(%dma_wait3A_219 : memref<64x256xf32, #tpu.memory_space<hbm>>) dst(%dma_wait3A_217 : memref<64x256xf32, #tpu.memory_space<vmem>>)
    %scan3A_220 = arith.constant 0 : i32
    %scan3A_221 = arith.constant 64 : i32
    %scan3A_222 = arith.addi %scan3A_220, %scan3A_221 : i32
    %scan3A_223 = arith.constant 1 : i32
    %scan3A_224 = scf.for %scan3A_232 = %scan3A_220 to %scan3A_222 step %scan3A_223 iter_args(%scan3A_233 = %scan3A_192) -> (vector<16xf32>)  : i32 {
      %get3A = arith.constant 1 : i32
      %get3A_234 = arith.index_cast %get3A : i32 to index
      %get3A_235 = arith.index_cast %scan3A_232 : i32 to index
      %get3A_236 = arith.constant 0 : index
      %get3A_237 = tpu.vector_load %arg8[%get3A_234, %get3A_235, %get3A_236] {strides = array<i32>} : memref<2x64x256xf32, #tpu.memory_space<vmem>>, vector<1x1x16xf32>,
      %get3A_238 = vector.shape_cast %get3A_237 : vector<1x1x16xf32> to vector<16xf32>
      %get3A_239 = arith.constant 1 : i32
      %get3A_240 = arith.index_cast %get3A_239 : i32 to index
      %get3A_241 = arith.index_cast %scan3A_232 : i32 to index
      %get3A_242 = arith.constant 0 : index
      %get3A_243 = tpu.vector_load %arg9[%get3A_240, %get3A_241, %get3A_242] {strides = array<i32>} : memref<2x64x256xf32, #tpu.memory_space<vmem>>, vector<1x1x16xf32>,
      %get3A_244 = vector.shape_cast %get3A_243 : vector<1x1x16xf32> to vector<16xf32>
      %sub3A = arith.subf %get3A_238, %get3A_244 : vector<16xf32>
      %mul3A_245 = arith.mulf %sub3A, %sub3A : vector<16xf32>
      %get3A_246 = arith.constant 1 : i32
      %get3A_247 = arith.index_cast %get3A_246 : i32 to index
      %get3A_248 = arith.index_cast %scan3A_232 : i32 to index
      %get3A_249 = arith.constant 16 : index
      %get3A_250 = tpu.vector_load %arg8[%get3A_247, %get3A_248, %get3A_249] {strides = array<i32>} : memref<2x64x256xf32, #tpu.memory_space<vmem>>, vector<1x1x16xf32>,
      %get3A_251 = vector.shape_cast %get3A_250 : vector<1x1x16xf32> to vector<16xf32>
      %get3A_252 = arith.constant 1 : i32
      %get3A_253 = arith.index_cast %get3A_252 : i32 to index
      %get3A_254 = arith.index_cast %scan3A_232 : i32 to index
      %get3A_255 = arith.constant 16 : index
      %get3A_256 = tpu.vector_load %arg9[%get3A_253, %get3A_254, %get3A_255] {strides = array<i32>} : memref<2x64x256xf32, #tpu.memory_space<vmem>>, vector<1x1x16xf32>,
      %get3A_257 = vector.shape_cast %get3A_256 : vector<1x1x16xf32> to vector<16xf32>
      %sub3A_258 = arith.subf %get3A_251, %get3A_257 : vector<16xf32>
      %mul3A_259 = arith.mulf %sub3A_258, %sub3A_258 : vector<16xf32>
      %get3A_260 = arith.constant 1 : i32
      %get3A_261 = arith.index_cast %get3A_260 : i32 to index
      %get3A_262 = arith.index_cast %scan3A_232 : i32 to index
      %get3A_263 = arith.constant 32 : index
      %get3A_264 = tpu.vector_load %arg8[%get3A_261, %get3A_262, %get3A_263] {strides = array<i32>} : memref<2x64x256xf32, #tpu.memory_space<vmem>>, vector<1x1x16xf32>,
      %get3A_265 = vector.shape_cast %get3A_264 : vector<1x1x16xf32> to vector<16xf32>
      %get3A_266 = arith.constant 1 : i32
      %get3A_267 = arith.index_cast %get3A_266 : i32 to index
      %get3A_268 = arith.index_cast %scan3A_232 : i32 to index
      %get3A_269 = arith.constant 32 : index
      %get3A_270 = tpu.vector_load %arg9[%get3A_267, %get3A_268, %get3A_269] {strides = array<i32>} : memref<2x64x256xf32, #tpu.memory_space<vmem>>, vector<1x1x16xf32>,
      %get3A_271 = vector.shape_cast %get3A_270 : vector<1x1x16xf32> to vector<16xf32>
      %sub3A_272 = arith.subf %get3A_265, %get3A_271 : vector<16xf32>
      %mul3A_273 = arith.mulf %sub3A_272, %sub3A_272 : vector<16xf32>
      %get3A_274 = arith.constant 1 : i32
      %get3A_275 = arith.index_cast %get3A_274 : i32 to index
      %get3A_276 = arith.index_cast %scan3A_232 : i32 to index
      %get3A_277 = arith.constant 48 : index
      %get3A_278 = tpu.vector_load %arg8[%get3A_275, %get3A_276, %get3A_277] {strides = array<i32>} : memref<2x64x256xf32, #tpu.memory_space<vmem>>, vector<1x1x16xf32>,
      %get3A_279 = vector.shape_cast %get3A_278 : vector<1x1x16xf32> to vector<16xf32>
      %get3A_280 = arith.constant 1 : i32
      %get3A_281 = arith.index_cast %get3A_280 : i32 to index
      %get3A_282 = arith.index_cast %scan3A_232 : i32 to index
      %get3A_283 = arith.constant 48 : index
      %get3A_284 = tpu.vector_load %arg9[%get3A_281, %get3A_282, %get3A_283] {strides = array<i32>} : memref<2x64x256xf32, #tpu.memory_space<vmem>>, vector<1x1x16xf32>,
      %get3A_285 = vector.shape_cast %get3A_284 : vector<1x1x16xf32> to vector<16xf32>
      %sub3A_286 = arith.subf %get3A_279, %get3A_285 : vector<16xf32>
      %mul3A_287 = arith.mulf %sub3A_286, %sub3A_286 : vector<16xf32>
      %get3A_288 = arith.constant 1 : i32
      %get3A_289 = arith.index_cast %get3A_288 : i32 to index
      %get3A_290 = arith.index_cast %scan3A_232 : i32 to index
      %get3A_291 = arith.constant 64 : index
      %get3A_292 = tpu.vector_load %arg8[%get3A_289, %get3A_290, %get3A_291] {strides = array<i32>} : memref<2x64x256xf32, #tpu.memory_space<vmem>>, vector<1x1x16xf32>,
      %get3A_293 = vector.shape_cast %get3A_292 : vector<1x1x16xf32> to vector<16xf32>
      %get3A_294 = arith.constant 1 : i32
      %get3A_295 = arith.index_cast %get3A_294 : i32 to index
      %get3A_296 = arith.index_cast %scan3A_232 : i32 to index
      %get3A_297 = arith.constant 64 : index
      %get3A_298 = tpu.vector_load %arg9[%get3A_295, %get3A_296, %get3A_297] {strides = array<i32>} : memref<2x64x256xf32, #tpu.memory_space<vmem>>, vector<1x1x16xf32>,
      %get3A_299 = vector.shape_cast %get3A_298 : vector<1x1x16xf32> to vector<16xf32>
      %sub3A_300 = arith.subf %get3A_293, %get3A_299 : vector<16xf32>
      %mul3A_301 = arith.mulf %sub3A_300, %sub3A_300 : vector<16xf32>
      %get3A_302 = arith.constant 1 : i32
      %get3A_303 = arith.index_cast %get3A_302 : i32 to index
      %get3A_304 = arith.index_cast %scan3A_232 : i32 to index
      %get3A_305 = arith.constant 80 : index
      %get3A_306 = tpu.vector_load %arg8[%get3A_303, %get3A_304, %get3A_305] {strides = array<i32>} : memref<2x64x256xf32, #tpu.memory_space<vmem>>, vector<1x1x16xf32>,
      %get3A_307 = vector.shape_cast %get3A_306 : vector<1x1x16xf32> to vector<16xf32>
      %get3A_308 = arith.constant 1 : i32
      %get3A_309 = arith.index_cast %get3A_308 : i32 to index
      %get3A_310 = arith.index_cast %scan3A_232 : i32 to index
      %get3A_311 = arith.constant 80 : index
      %get3A_312 = tpu.vector_load %arg9[%get3A_309, %get3A_310, %get3A_311] {strides = array<i32>} : memref<2x64x256xf32, #tpu.memory_space<vmem>>, vector<1x1x16xf32>,
      %get3A_313 = vector.shape_cast %get3A_312 : vector<1x1x16xf32> to vector<16xf32>
      %sub3A_314 = arith.subf %get3A_307, %get3A_313 : vector<16xf32>
      %mul3A_315 = arith.mulf %sub3A_314, %sub3A_314 : vector<16xf32>
      %get3A_316 = arith.constant 1 : i32
      %get3A_317 = arith.index_cast %get3A_316 : i32 to index
      %get3A_318 = arith.index_cast %scan3A_232 : i32 to index
      %get3A_319 = arith.constant 96 : index
      %get3A_320 = tpu.vector_load %arg8[%get3A_317, %get3A_318, %get3A_319] {strides = array<i32>} : memref<2x64x256xf32, #tpu.memory_space<vmem>>, vector<1x1x16xf32>,
      %get3A_321 = vector.shape_cast %get3A_320 : vector<1x1x16xf32> to vector<16xf32>
      %get3A_322 = arith.constant 1 : i32
      %get3A_323 = arith.index_cast %get3A_322 : i32 to index
      %get3A_324 = arith.index_cast %scan3A_232 : i32 to index
      %get3A_325 = arith.constant 96 : index
      %get3A_326 = tpu.vector_load %arg9[%get3A_323, %get3A_324, %get3A_325] {strides = array<i32>} : memref<2x64x256xf32, #tpu.memory_space<vmem>>, vector<1x1x16xf32>,
      %get3A_327 = vector.shape_cast %get3A_326 : vector<1x1x16xf32> to vector<16xf32>
      %sub3A_328 = arith.subf %get3A_321, %get3A_327 : vector<16xf32>
      %mul3A_329 = arith.mulf %sub3A_328, %sub3A_328 : vector<16xf32>
      %get3A_330 = arith.constant 1 : i32
      %get3A_331 = arith.index_cast %get3A_330 : i32 to index
      %get3A_332 = arith.index_cast %scan3A_232 : i32 to index
      %get3A_333 = arith.constant 112 : index
      %get3A_334 = tpu.vector_load %arg8[%get3A_331, %get3A_332, %get3A_333] {strides = array<i32>} : memref<2x64x256xf32, #tpu.memory_space<vmem>>, vector<1x1x16xf32>,
      %get3A_335 = vector.shape_cast %get3A_334 : vector<1x1x16xf32> to vector<16xf32>
      %get3A_336 = arith.constant 1 : i32
      %get3A_337 = arith.index_cast %get3A_336 : i32 to index
      %get3A_338 = arith.index_cast %scan3A_232 : i32 to index
      %get3A_339 = arith.constant 112 : index
      %get3A_340 = tpu.vector_load %arg9[%get3A_337, %get3A_338, %get3A_339] {strides = array<i32>} : memref<2x64x256xf32, #tpu.memory_space<vmem>>, vector<1x1x16xf32>,
      %get3A_341 = vector.shape_cast %get3A_340 : vector<1x1x16xf32> to vector<16xf32>
      %sub3A_342 = arith.subf %get3A_335, %get3A_341 : vector<16xf32>
      %mul3A_343 = arith.mulf %sub3A_342, %sub3A_342 : vector<16xf32>
      %get3A_344 = arith.constant 1 : i32
      %get3A_345 = arith.index_cast %get3A_344 : i32 to index
      %get3A_346 = arith.index_cast %scan3A_232 : i32 to index
      %get3A_347 = arith.constant 128 : index
      %get3A_348 = tpu.vector_load %arg8[%get3A_345, %get3A_346, %get3A_347] {strides = array<i32>} : memref<2x64x256xf32, #tpu.memory_space<vmem>>, vector<1x1x16xf32>,
      %get3A_349 = vector.shape_cast %get3A_348 : vector<1x1x16xf32> to vector<16xf32>
      %get3A_350 = arith.constant 1 : i32
      %get3A_351 = arith.index_cast %get3A_350 : i32 to index
      %get3A_352 = arith.index_cast %scan3A_232 : i32 to index
      %get3A_353 = arith.constant 128 : index
      %get3A_354 = tpu.vector_load %arg9[%get3A_351, %get3A_352, %get3A_353] {strides = array<i32>} : memref<2x64x256xf32, #tpu.memory_space<vmem>>, vector<1x1x16xf32>,
      %get3A_355 = vector.shape_cast %get3A_354 : vector<1x1x16xf32> to vector<16xf32>
      %sub3A_356 = arith.subf %get3A_349, %get3A_355 : vector<16xf32>
      %mul3A_357 = arith.mulf %sub3A_356, %sub3A_356 : vector<16xf32>
      %get3A_358 = arith.constant 1 : i32
      %get3A_359 = arith.index_cast %get3A_358 : i32 to index
      %get3A_360 = arith.index_cast %scan3A_232 : i32 to index
      %get3A_361 = arith.constant 144 : index
      %get3A_362 = tpu.vector_load %arg8[%get3A_359, %get3A_360, %get3A_361] {strides = array<i32>} : memref<2x64x256xf32, #tpu.memory_space<vmem>>, vector<1x1x16xf32>,
      %get3A_363 = vector.shape_cast %get3A_362 : vector<1x1x16xf32> to vector<16xf32>
      %get3A_364 = arith.constant 1 : i32
      %get3A_365 = arith.index_cast %get3A_364 : i32 to index
      %get3A_366 = arith.index_cast %scan3A_232 : i32 to index
      %get3A_367 = arith.constant 144 : index
      %get3A_368 = tpu.vector_load %arg9[%get3A_365, %get3A_366, %get3A_367] {strides = array<i32>} : memref<2x64x256xf32, #tpu.memory_space<vmem>>, vector<1x1x16xf32>,
      %get3A_369 = vector.shape_cast %get3A_368 : vector<1x1x16xf32> to vector<16xf32>
      %sub3A_370 = arith.subf %get3A_363, %get3A_369 : vector<16xf32>
      %mul3A_371 = arith.mulf %sub3A_370, %sub3A_370 : vector<16xf32>
      %get3A_372 = arith.constant 1 : i32
      %get3A_373 = arith.index_cast %get3A_372 : i32 to index
      %get3A_374 = arith.index_cast %scan3A_232 : i32 to index
      %get3A_375 = arith.constant 160 : index
      %get3A_376 = tpu.vector_load %arg8[%get3A_373, %get3A_374, %get3A_375] {strides = array<i32>} : memref<2x64x256xf32, #tpu.memory_space<vmem>>, vector<1x1x16xf32>,
      %get3A_377 = vector.shape_cast %get3A_376 : vector<1x1x16xf32> to vector<16xf32>
      %get3A_378 = arith.constant 1 : i32
      %get3A_379 = arith.index_cast %get3A_378 : i32 to index
      %get3A_380 = arith.index_cast %scan3A_232 : i32 to index
      %get3A_381 = arith.constant 160 : index
      %get3A_382 = tpu.vector_load %arg9[%get3A_379, %get3A_380, %get3A_381] {strides = array<i32>} : memref<2x64x256xf32, #tpu.memory_space<vmem>>, vector<1x1x16xf32>,
      %get3A_383 = vector.shape_cast %get3A_382 : vector<1x1x16xf32> to vector<16xf32>
      %sub3A_384 = arith.subf %get3A_377, %get3A_383 : vector<16xf32>
      %mul3A_385 = arith.mulf %sub3A_384, %sub3A_384 : vector<16xf32>
      %get3A_386 = arith.constant 1 : i32
      %get3A_387 = arith.index_cast %get3A_386 : i32 to index
      %get3A_388 = arith.index_cast %scan3A_232 : i32 to index
      %get3A_389 = arith.constant 176 : index
      %get3A_390 = tpu.vector_load %arg8[%get3A_387, %get3A_388, %get3A_389] {strides = array<i32>} : memref<2x64x256xf32, #tpu.memory_space<vmem>>, vector<1x1x16xf32>,
      %get3A_391 = vector.shape_cast %get3A_390 : vector<1x1x16xf32> to vector<16xf32>
      %get3A_392 = arith.constant 1 : i32
      %get3A_393 = arith.index_cast %get3A_392 : i32 to index
      %get3A_394 = arith.index_cast %scan3A_232 : i32 to index
      %get3A_395 = arith.constant 176 : index
      %get3A_396 = tpu.vector_load %arg9[%get3A_393, %get3A_394, %get3A_395] {strides = array<i32>} : memref<2x64x256xf32, #tpu.memory_space<vmem>>, vector<1x1x16xf32>,
      %get3A_397 = vector.shape_cast %get3A_396 : vector<1x1x16xf32> to vector<16xf32>
      %sub3A_398 = arith.subf %get3A_391, %get3A_397 : vector<16xf32>
      %mul3A_399 = arith.mulf %sub3A_398, %sub3A_398 : vector<16xf32>
      %get3A_400 = arith.constant 1 : i32
      %get3A_401 = arith.index_cast %get3A_400 : i32 to index
      %get3A_402 = arith.index_cast %scan3A_232 : i32 to index
      %get3A_403 = arith.constant 192 : index
      %get3A_404 = tpu.vector_load %arg8[%get3A_401, %get3A_402, %get3A_403] {strides = array<i32>} : memref<2x64x256xf32, #tpu.memory_space<vmem>>, vector<1x1x16xf32>,
      %get3A_405 = vector.shape_cast %get3A_404 : vector<1x1x16xf32> to vector<16xf32>
      %get3A_406 = arith.constant 1 : i32
      %get3A_407 = arith.index_cast %get3A_406 : i32 to index
      %get3A_408 = arith.index_cast %scan3A_232 : i32 to index
      %get3A_409 = arith.constant 192 : index
      %get3A_410 = tpu.vector_load %arg9[%get3A_407, %get3A_408, %get3A_409] {strides = array<i32>} : memref<2x64x256xf32, #tpu.memory_space<vmem>>, vector<1x1x16xf32>,
      %get3A_411 = vector.shape_cast %get3A_410 : vector<1x1x16xf32> to vector<16xf32>
      %sub3A_412 = arith.subf %get3A_405, %get3A_411 : vector<16xf32>
      %mul3A_413 = arith.mulf %sub3A_412, %sub3A_412 : vector<16xf32>
      %get3A_414 = arith.constant 1 : i32
      %get3A_415 = arith.index_cast %get3A_414 : i32 to index
      %get3A_416 = arith.index_cast %scan3A_232 : i32 to index
      %get3A_417 = arith.constant 208 : index
      %get3A_418 = tpu.vector_load %arg8[%get3A_415, %get3A_416, %get3A_417] {strides = array<i32>} : memref<2x64x256xf32, #tpu.memory_space<vmem>>, vector<1x1x16xf32>,
      %get3A_419 = vector.shape_cast %get3A_418 : vector<1x1x16xf32> to vector<16xf32>
      %get3A_420 = arith.constant 1 : i32
      %get3A_421 = arith.index_cast %get3A_420 : i32 to index
      %get3A_422 = arith.index_cast %scan3A_232 : i32 to index
      %get3A_423 = arith.constant 208 : index
      %get3A_424 = tpu.vector_load %arg9[%get3A_421, %get3A_422, %get3A_423] {strides = array<i32>} : memref<2x64x256xf32, #tpu.memory_space<vmem>>, vector<1x1x16xf32>,
      %get3A_425 = vector.shape_cast %get3A_424 : vector<1x1x16xf32> to vector<16xf32>
      %sub3A_426 = arith.subf %get3A_419, %get3A_425 : vector<16xf32>
      %mul3A_427 = arith.mulf %sub3A_426, %sub3A_426 : vector<16xf32>
      %get3A_428 = arith.constant 1 : i32
      %get3A_429 = arith.index_cast %get3A_428 : i32 to index
      %get3A_430 = arith.index_cast %scan3A_232 : i32 to index
      %get3A_431 = arith.constant 224 : index
      %get3A_432 = tpu.vector_load %arg8[%get3A_429, %get3A_430, %get3A_431] {strides = array<i32>} : memref<2x64x256xf32, #tpu.memory_space<vmem>>, vector<1x1x16xf32>,
      %get3A_433 = vector.shape_cast %get3A_432 : vector<1x1x16xf32> to vector<16xf32>
      %get3A_434 = arith.constant 1 : i32
      %get3A_435 = arith.index_cast %get3A_434 : i32 to index
      %get3A_436 = arith.index_cast %scan3A_232 : i32 to index
      %get3A_437 = arith.constant 224 : index
      %get3A_438 = tpu.vector_load %arg9[%get3A_435, %get3A_436, %get3A_437] {strides = array<i32>} : memref<2x64x256xf32, #tpu.memory_space<vmem>>, vector<1x1x16xf32>,
      %get3A_439 = vector.shape_cast %get3A_438 : vector<1x1x16xf32> to vector<16xf32>
      %sub3A_440 = arith.subf %get3A_433, %get3A_439 : vector<16xf32>
      %mul3A_441 = arith.mulf %sub3A_440, %sub3A_440 : vector<16xf32>
      %get3A_442 = arith.constant 1 : i32
      %get3A_443 = arith.index_cast %get3A_442 : i32 to index
      %get3A_444 = arith.index_cast %scan3A_232 : i32 to index
      %get3A_445 = arith.constant 240 : index
      %get3A_446 = tpu.vector_load %arg8[%get3A_443, %get3A_444, %get3A_445] {strides = array<i32>} : memref<2x64x256xf32, #tpu.memory_space<vmem>>, vector<1x1x16xf32>,
      %get3A_447 = vector.shape_cast %get3A_446 : vector<1x1x16xf32> to vector<16xf32>
      %get3A_448 = arith.constant 1 : i32
      %get3A_449 = arith.index_cast %get3A_448 : i32 to index
      %get3A_450 = arith.index_cast %scan3A_232 : i32 to index
      %get3A_451 = arith.constant 240 : index
      %get3A_452 = tpu.vector_load %arg9[%get3A_449, %get3A_450, %get3A_451] {strides = array<i32>} : memref<2x64x256xf32, #tpu.memory_space<vmem>>, vector<1x1x16xf32>,
      %get3A_453 = vector.shape_cast %get3A_452 : vector<1x1x16xf32> to vector<16xf32>
      %sub3A_454 = arith.subf %get3A_447, %get3A_453 : vector<16xf32>
      %mul3A_455 = arith.mulf %sub3A_454, %sub3A_454 : vector<16xf32>
      %add3A_456 = arith.addf %mul3A_245, %mul3A_259 : vector<16xf32>
      %add3A_457 = arith.addf %mul3A_273, %mul3A_287 : vector<16xf32>
      %add3A_458 = arith.addf %mul3A_301, %mul3A_315 : vector<16xf32>
      %add3A_459 = arith.addf %mul3A_329, %mul3A_343 : vector<16xf32>
      %add3A_460 = arith.addf %mul3A_357, %mul3A_371 : vector<16xf32>
      %add3A_461 = arith.addf %mul3A_385, %mul3A_399 : vector<16xf32>
      %add3A_462 = arith.addf %mul3A_413, %mul3A_427 : vector<16xf32>
      %add3A_463 = arith.addf %mul3A_441, %mul3A_455 : vector<16xf32>
      %add3A_464 = arith.addf %add3A_456, %add3A_457 : vector<16xf32>
      %add3A_465 = arith.addf %add3A_458, %add3A_459 : vector<16xf32>
      %add3A_466 = arith.addf %add3A_460, %add3A_461 : vector<16xf32>
      %add3A_467 = arith.addf %add3A_462, %add3A_463 : vector<16xf32>
      %add3A_468 = arith.addf %add3A_464, %add3A_465 : vector<16xf32>
      %add3A_469 = arith.addf %add3A_466, %add3A_467 : vector<16xf32>
      %add3A_470 = arith.addf %add3A_468, %add3A_469 : vector<16xf32>
      %add3A_471 = arith.addf %scan3A_233, %add3A_470 : vector<16xf32>
      scf.yield %add3A_471 : vector<16xf32>
    }
    %scan3A_225 = arith.constant 64 : i32
    %add3A_226 = arith.constant 192 : i32
    %add3A_227 = arith.addi %mul3A_2, %add3A_226 : i32
    %run_scoped3A_228 = arith.constant 1 : i32
    "tpu.region"() ({
      %run_scoped3A_232 = tpu.sem_alloc : memref<!tpu.dma_semaphore, #tpu.memory_space<semaphore_mem>>
      %dma_start3A_233 = arith.constant 0 : i32
      %dma_start3A_234 = arith.constant 0 : i32
      %dma_start3A_235 = tpu.memref_slice %arg8[%run_scoped3A_228, %dma_start3A_233, %dma_start3A_234] : memref<2x64x256xf32, #tpu.memory_space<vmem>> -> memref<1x64x256xf32, #tpu.memory_space<vmem>>
      %dma_start3A_236 = tpu.memref_squeeze %dma_start3A_235 : memref<1x64x256xf32, #tpu.memory_space<vmem>> -> memref<64x256xf32, #tpu.memory_space<vmem>>
      %dma_start3A_237 = arith.constant 0 : i32
      %dma_start3A_238 = tpu.memref_slice %arg5[%add3A_227, %dma_start3A_237] : memref<8192x256xf32, #tpu.memory_space<hbm>> -> memref<64x256xf32, #tpu.memory_space<hbm>>
      %dma_start3A_239 = arith.constant 0 : i32
      %dma_start3A_240 = tpu.memref_slice %arg5[%add3A_227, %dma_start3A_239] : memref<8192x256xf32, #tpu.memory_space<hbm>> -> memref<64x256xf32, #tpu.memory_space<hbm>>
      %dma_start3A_241 = arith.constant 0 : i32
      %dma_start3A_242 = arith.constant 0 : i32
      %dma_start3A_243 = tpu.memref_slice %arg8[%run_scoped3A_228, %dma_start3A_241, %dma_start3A_242] : memref<2x64x256xf32, #tpu.memory_space<vmem>> -> memref<1x64x256xf32, #tpu.memory_space<vmem>>
      %dma_start3A_244 = tpu.memref_squeeze %dma_start3A_243 : memref<1x64x256xf32, #tpu.memory_space<vmem>> -> memref<64x256xf32, #tpu.memory_space<vmem>>
      tpu.enqueue_dma source(%dma_start3A_244 : memref<64x256xf32, #tpu.memory_space<vmem>>) target(%dma_start3A_240 : memref<64x256xf32, #tpu.memory_space<hbm>>) target_semaphore(%run_scoped3A_232 : memref<!tpu.dma_semaphore, #tpu.memory_space<semaphore_mem>>)
      %dma_wait3A_245 = arith.constant 0 : i32
      %dma_wait3A_246 = arith.constant 0 : i32
      %dma_wait3A_247 = tpu.memref_slice %arg8[%run_scoped3A_228, %dma_wait3A_245, %dma_wait3A_246] : memref<2x64x256xf32, #tpu.memory_space<vmem>> -> memref<1x64x256xf32, #tpu.memory_space<vmem>>
      %dma_wait3A_248 = tpu.memref_squeeze %dma_wait3A_247 : memref<1x64x256xf32, #tpu.memory_space<vmem>> -> memref<64x256xf32, #tpu.memory_space<vmem>>
      %dma_wait3A_249 = arith.constant 0 : i32
      %dma_wait3A_250 = tpu.memref_slice %arg5[%add3A_227, %dma_wait3A_249] : memref<8192x256xf32, #tpu.memory_space<hbm>> -> memref<64x256xf32, #tpu.memory_space<hbm>>
      %dma_wait3A_251 = arith.constant 0 : i32
      %dma_wait3A_252 = tpu.memref_slice %arg5[%add3A_227, %dma_wait3A_251] : memref<8192x256xf32, #tpu.memory_space<hbm>> -> memref<64x256xf32, #tpu.memory_space<hbm>>
      %dma_wait3A_253 = arith.constant 0 : i32
      %dma_wait3A_254 = arith.constant 0 : i32
      %dma_wait3A_255 = tpu.memref_slice %arg8[%run_scoped3A_228, %dma_wait3A_253, %dma_wait3A_254] : memref<2x64x256xf32, #tpu.memory_space<vmem>> -> memref<1x64x256xf32, #tpu.memory_space<vmem>>
      %dma_wait3A_256 = tpu.memref_squeeze %dma_wait3A_255 : memref<1x64x256xf32, #tpu.memory_space<vmem>> -> memref<64x256xf32, #tpu.memory_space<vmem>>
      tpu.wait_dma2 semaphore(%run_scoped3A_232 : memref<!tpu.dma_semaphore, #tpu.memory_space<semaphore_mem>>) src(%dma_wait3A_256 : memref<64x256xf32, #tpu.memory_space<vmem>>) dst(%dma_wait3A_252 : memref<64x256xf32, #tpu.memory_space<hbm>>)
      tpu.yield
    }) : () -> ()
    %swap3A = arith.constant 0 : index
    %swap3A_229 = tpu.vector_load %arg10[%swap3A] {strides = array<i32>} : memref<16xf32, #tpu.memory_space<vmem>>, vector<16xf32>,
    %swap3A_230 = vector.shape_cast %swap3A_229 : vector<16xf32> to vector<16xf32>
    %swap3A_231 = vector.shape_cast %scan3A_224 : vector<16xf32> to vector<16xf32>
    tpu.vector_store %arg10[%swap3A], %swap3A_231 {strides = array<i32>} : memref<16xf32, #tpu.memory_space<vmem>>, vector<16xf32>,
    "tpu.region"() ({
      %run_scoped3A_232 = tpu.sem_alloc : memref<!tpu.dma_semaphore, #tpu.memory_space<semaphore_mem>>
      %dma_start3A_233 = arith.constant 0 : i32
      %dma_start3A_234 = tpu.memref_slice %arg6[%add3A, %dma_start3A_233] : memref<32x16xf32, #tpu.memory_space<hbm>> -> memref<1x16xf32, #tpu.memory_space<hbm>>
      %dma_start3A_235 = tpu.memref_squeeze %dma_start3A_234 : memref<1x16xf32, #tpu.memory_space<hbm>> -> memref<16xf32, #tpu.memory_space<hbm>>
      %dma_start3A_236 = arith.constant 0 : i32
      %dma_start3A_237 = tpu.memref_slice %arg6[%add3A, %dma_start3A_236] : memref<32x16xf32, #tpu.memory_space<hbm>> -> memref<1x16xf32, #tpu.memory_space<hbm>>
      %dma_start3A_238 = tpu.memref_squeeze %dma_start3A_237 : memref<1x16xf32, #tpu.memory_space<hbm>> -> memref<16xf32, #tpu.memory_space<hbm>>
      tpu.enqueue_dma source(%arg10 : memref<16xf32, #tpu.memory_space<vmem>>) target(%dma_start3A_238 : memref<16xf32, #tpu.memory_space<hbm>>) target_semaphore(%run_scoped3A_232 : memref<!tpu.dma_semaphore, #tpu.memory_space<semaphore_mem>>)
      %dma_wait3A_239 = arith.constant 0 : i32
      %dma_wait3A_240 = tpu.memref_slice %arg6[%add3A, %dma_wait3A_239] : memref<32x16xf32, #tpu.memory_space<hbm>> -> memref<1x16xf32, #tpu.memory_space<hbm>>
      %dma_wait3A_241 = tpu.memref_squeeze %dma_wait3A_240 : memref<1x16xf32, #tpu.memory_space<hbm>> -> memref<16xf32, #tpu.memory_space<hbm>>
      %dma_wait3A_242 = arith.constant 0 : i32
      %dma_wait3A_243 = tpu.memref_slice %arg6[%add3A, %dma_wait3A_242] : memref<32x16xf32, #tpu.memory_space<hbm>> -> memref<1x16xf32, #tpu.memory_space<hbm>>
      %dma_wait3A_244 = tpu.memref_squeeze %dma_wait3A_243 : memref<1x16xf32, #tpu.memory_space<hbm>> -> memref<16xf32, #tpu.memory_space<hbm>>
      tpu.wait_dma2 semaphore(%run_scoped3A_232 : memref<!tpu.dma_semaphore, #tpu.memory_space<semaphore_mem>>) src(%arg10 : memref<16xf32, #tpu.memory_space<vmem>>) dst(%dma_wait3A_244 : memref<16xf32, #tpu.memory_space<hbm>>)
      tpu.yield
    }) : () -> ()
    return
  }
}

module attributes {stable_mosaic.version = 14 : i64} {
  func.func @_vq_body(%arg0: i32, %arg1: memref<256x256xf32, #tpu.memory_space<vmem>>, %arg2: memref<8192x256xf32, #tpu.memory_space<vmem>>, %arg3: memref<1x8192xf32, #tpu.memory_space<vmem>>, %arg4: memref<8x8192xf32, #tpu.memory_space<vmem>>, %arg5: memref<1x1x256xi32, #tpu.memory_space<vmem>>, %arg6: memref<256x1xi32, #tpu.memory_space<vmem>>) attributes {dimension_semantics = [#tpu.dimension_semantics<arbitrary>], iteration_bounds = array<i64: 33>, scalar_prefetch = 0 : i64, scratch_operands = 1 : i64, tpu.core_type = #tpu.core_type<tc>, window_params = [{transform_indices = @transform_0, window_bounds = array<i64: 256, 256>}, {pipeline_mode = #tpu.pipeline_mode<synchronous>, transform_indices = @transform_1, window_bounds = array<i64: 8192, 256>}, {pipeline_mode = #tpu.pipeline_mode<synchronous>, transform_indices = @transform_2, window_bounds = array<i64: 1, 8192>}, {transform_indices = @transform_3, window_bounds = array<i64: 8, 8192>}, {transform_indices = @transform_4, window_bounds = array<i64: 1, 1, 256>}]} {
    %gt3A = arith.constant 0 : i32
    %gt3A_0 = arith.cmpi sgt, %arg0, %gt3A : i32
    %convert_element_type3A = arith.extui %gt3A_0 : i1 to i32
    %cond3A = arith.constant 0 : i32
    %cond3A_1 = arith.cmpi ne, %convert_element_type3A, %cond3A : i32
    scf.if %cond3A_1 {
      %iota3A = tpu.iota {dimensions = array<i32: 1>} : vector<1x8192xi32>
      %get3A = arith.constant 0 : index
      %get3A_6 = arith.constant 0 : index
      %get3A_7 = vector.load %arg6[%get3A, %get3A_6] : memref<256x1xi32, #tpu.memory_space<vmem>>, vector<256x1xi32>
      %eq3A = vector.broadcast %iota3A : vector<1x8192xi32> to vector<256x8192xi32>
      %eq3A_8 = vector.broadcast %get3A_7 : vector<256x1xi32> to vector<256x8192xi32>
      %eq3A_9 = arith.cmpi eq, %eq3A, %eq3A_8 : vector<256x8192xi32>
      %convert_element_type3A_10 = arith.extui %eq3A_9 : vector<256x8192xi1> to vector<256x8192xi32>
      %convert_element_type3A_11 = arith.sitofp %convert_element_type3A_10 : vector<256x8192xi32> to vector<256x8192xf32>
      %slice3A = vector.extract_strided_slice %convert_element_type3A_11 {offsets = [0, 0], sizes = [8, 8192], strides = [1, 1]} : vector<256x8192xf32> to vector<8x8192xf32>
      %swap3A = arith.constant 0 : index
      %swap3A_12 = arith.constant 0 : index
      %swap3A_13 = vector.load %arg4[%swap3A, %swap3A_12] : memref<8x8192xf32, #tpu.memory_space<vmem>>, vector<8x8192xf32>
      tpu.vector_store %arg4[%swap3A, %swap3A_12], %slice3A {strides = array<i32>} : memref<8x8192xf32, #tpu.memory_space<vmem>>, vector<8x8192xf32>,
    } else {
    }
    %lt3A = arith.constant 32 : i32
    %lt3A_2 = arith.cmpi slt, %arg0, %lt3A : i32
    %convert_element_type3A_3 = arith.extui %lt3A_2 : i1 to i32
    %cond3A_4 = arith.constant 0 : i32
    %cond3A_5 = arith.cmpi ne, %convert_element_type3A_3, %cond3A_4 : i32
    scf.if %cond3A_5 {
      %get3A = arith.constant 0 : index
      %get3A_6 = arith.constant 0 : index
      %get3A_7 = vector.load %arg1[%get3A, %get3A_6] : memref<256x256xf32, #tpu.memory_space<vmem>>, vector<256x256xf32>
      %mul3A = arith.constant 2.000000e+00 : f32
      %mul3A_8 = vector.broadcast %mul3A : f32 to vector<256x256xf32>
      %mul3A_9 = arith.mulf %get3A_7, %mul3A_8 : vector<256x256xf32>
      %get3A_10 = arith.constant 0 : index
      %get3A_11 = arith.constant 0 : index
      %get3A_12 = vector.load %arg2[%get3A_10, %get3A_11] : memref<8192x256xf32, #tpu.memory_space<vmem>>, vector<8192x256xf32>
      %transpose3A = tpu.transpose %get3A_12, [1, 0] : vector<8192x256xf32> -> vector<256x8192xf32>
      %dot_general3A = arith.constant dense<0.000000e+00> : vector<256x8192xf32>
      %dot_general3A_13 = tpu.matmul %mul3A_9, %transpose3A, %dot_general3A {dimension_numbers = #tpu.dot_dimension_numbers<[1], [0], [0], [1], [0, 0, 1, 1], [], []>, transpose_lhs_hint = false} : vector<256x256xf32>, vector<256x8192xf32>, vector<256x8192xf32> -> vector<256x8192xf32>
      %mul3A_14 = arith.mulf %get3A_7, %get3A_7 : vector<256x256xf32>
      %reduce_sum3A = arith.constant dense<0.000000e+00> : vector<256xf32>
      %reduce_sum3A_15 = vector.multi_reduction <add>, %mul3A_14, %reduce_sum3A [1] : vector<256x256xf32> to vector<256xf32>
      %broadcast_in_dim3A = vector.shape_cast %reduce_sum3A_15 : vector<256xf32> to vector<256x1xf32>
      %get3A_16 = arith.constant 0 : index
      %get3A_17 = arith.constant 0 : index
      %get3A_18 = vector.load %arg3[%get3A_16, %get3A_17] : memref<1x8192xf32, #tpu.memory_space<vmem>>, vector<1x8192xf32>
      %add3A = vector.broadcast %broadcast_in_dim3A : vector<256x1xf32> to vector<256x8192xf32>
      %add3A_19 = vector.broadcast %get3A_18 : vector<1x8192xf32> to vector<256x8192xf32>
      %add3A_20 = arith.addf %add3A, %add3A_19 : vector<256x8192xf32>
      %sub3A = arith.subf %add3A_20, %dot_general3A_13 : vector<256x8192xf32>
      %argmin3A = tpu.reduce_index %sub3A {axis = 1 : i32, kind = #tpu.reduction_kind<arg_min>} : vector<256x8192xf32> -> vector<256xi32>
      %broadcast_in_dim3A_21 = vector.shape_cast %argmin3A : vector<256xi32> to vector<256x1xi32>
      %transpose3A_22 = tpu.transpose %broadcast_in_dim3A_21, [1, 0] : vector<256x1xi32> -> vector<1x256xi32>
      %reshape3A = vector.shape_cast %transpose3A_22 : vector<1x256xi32> to vector<1x1x256xi32>
      %swap3A = arith.constant 0 : index
      %swap3A_23 = arith.constant 0 : index
      %swap3A_24 = arith.constant 0 : index
      %swap3A_25 = vector.load %arg5[%swap3A, %swap3A_23, %swap3A_24] : memref<1x1x256xi32, #tpu.memory_space<vmem>>, vector<1x1x256xi32>
      tpu.vector_store %arg5[%swap3A, %swap3A_23, %swap3A_24], %reshape3A {strides = array<i32>} : memref<1x1x256xi32, #tpu.memory_space<vmem>>, vector<1x1x256xi32>,
      %swap3A_26 = arith.constant 0 : index
      %swap3A_27 = arith.constant 0 : index
      %swap3A_28 = vector.load %arg6[%swap3A_26, %swap3A_27] : memref<256x1xi32, #tpu.memory_space<vmem>>, vector<256x1xi32>
      tpu.vector_store %arg6[%swap3A_26, %swap3A_27], %broadcast_in_dim3A_21 {strides = array<i32>} : memref<256x1xi32, #tpu.memory_space<vmem>>, vector<256x1xi32>,
    } else {
    }
    return
  }
  func.func @transform_0(%arg0: i32) -> (i32, i32) {
    %min3A = arith.constant 31 : i32
    %min3A_0 = arith.minsi %arg0, %min3A : i32
    %c0_i32 = arith.constant 0 : i32
    %c0_i32_1 = arith.constant 0 : i32
    return %min3A_0, %c0_i32 : i32, i32
  }
  func.func @transform_1(%arg0: i32) -> (i32, i32) {
    %c0_i32 = arith.constant 0 : i32
    %c0_i32_0 = arith.constant 0 : i32
    %c0_i32_1 = arith.constant 0 : i32
    return %c0_i32, %c0_i32_0 : i32, i32
  }
  func.func @transform_2(%arg0: i32) -> (i32, i32) {
    %c0_i32 = arith.constant 0 : i32
    %c0_i32_0 = arith.constant 0 : i32
    %c0_i32_1 = arith.constant 0 : i32
    return %c0_i32, %c0_i32_0 : i32, i32
  }
  func.func @transform_3(%arg0: i32) -> (i32, i32) {
    %sub3A = arith.constant 1 : i32
    %sub3A_0 = arith.subi %arg0, %sub3A : i32
    %max3A = arith.constant 0 : i32
    %max3A_1 = arith.maxsi %sub3A_0, %max3A : i32
    %c0_i32 = arith.constant 0 : i32
    %c0_i32_2 = arith.constant 0 : i32
    return %max3A_1, %c0_i32 : i32, i32
  }
  func.func @transform_4(%arg0: i32) -> (i32, i32, i32) {
    %c0_i32 = arith.constant 0 : i32
    %c0_i32_0 = arith.constant 0 : i32
    %c0_i32_1 = arith.constant 0 : i32
    return %arg0, %c0_i32, %c0_i32_0 : i32, i32, i32
  }
}

</mosaic_0001>

<sc_bundles>
// kernel: kernel.4.cloned.1.call-start
scs
__scs_entry_jumppad:
0x0: {  	(pc) =	sbr.rel $0x88, $3  }
0x1: {  	(tag) =	ssettag $0x0;
	lr =	simm.s32 $0x1  }
0x2: {  	[smem:$0x3F9F] =	sst lr;
	_ =	strace $0xD0000000  }
0x3: {  	_ = 	snop  }
0x4: {  	_ = 	snop  }
0x5: {  	_ = 	snop  }
0x6: {  	_ = 	snop  }
0x7: {  	_ = 	snop  }
__scs_overlays_trampoline_lowered:
0x8: {  	[smem:$0x3FAE] =	sst s0  }
0x9: {  	[smem:$0x3FAF] =	sst s1  }
0xa: {  	[smem:$0x3FB0] =	sst s2  }
0xb: {  	[smem:$0x3FB1] =	sst s3  }
0xc: {  	[smem:$0x3FB2] =	sst s4  }
0xd: {  	[smem:$0x3FB3] =	sst s5  }
0xe: {  	[smem:$0x3FB4] =	sst s6  }
0xf: {  	[smem:$0x3FB5] =	sst s7  }
0x10: {  	[smem:$0x3FB6] =	sst s8  }
0x11: {  	[smem:$0x3FB7] =	sst s9;
	s0 =	simm.s32 @!p0 $0x0  }
0x12: {  	s1 =	sld [smem:$0x3F9D];
	s0 =	simm.s32 @p0 $0x1  }
0x13: {  	[smem:$0x3FB8] =	sst s0;
	s0 =	simm.s32 @!p1 $0x0  }
0x14: {  	s2 =	sld [smem:$0x3F9C];
	s0 =	simm.s32 @p1 $0x1  }
0x15: {  	[smem:$0x3FB9] =	sst s0;
	s0 =	simm.s32 @!p2 $0x0  }
0x16: {  	s3 =	sld [smem:$0x3FDB];
	s0 =	simm.s32 @p2 $0x1  }
0x17: {  	s4 =	simm.s32 $0x1BF5;
	[smem:$0x3FBB] =	sst s0  }
0x18: {  	s0 =	sld [smem:$0x3F9E];
	_ =	swait.ge [sflag:s4], $0x0  }
0x19: {  	s7 =	sld [smem:$0x3F9F]  }
0x1a: {  	s8 =	sadd.s32 $0xFFFFE003, lr  }
0x1b: {  	s9 =	sadd.s32 $0xFFFFFEF7, lr;
	s5 =	simm.s32 $0xFFFFFFFF;
	p2 =	slt.u32 s8, $0xFFFFF086  }
0x1c: {  	p1 =	slt.u32 s9, $0xF7A;
	s5 =	simm.s32 @!p2 $0x0  }
0x1d: {  	s5 =	simm.s32 @p1 $0x1;
	p0 =	seq.s32 s7, s2  }
0x1e: {  	s7 =	smul.u32 @!p0 $0xF7A, s2;
	p2 =	seq.s32 @!p0 s5, $0x0  }
0x1f: {  	s9 =	smul.u32 $0xF7A, s1;
	s8 =	simm.s32 @!p0 $0x1BF5;
	p2 =	por !p2, p0  }
0x20: {  	[sflag:s8] =	ssyncset.s32 @!p0 $0xFFFFF086;
	s6 =	sadd.s32 @!p0 s3, s7;
	s7 =	simm.s32 @!p0 $0x108  }
0x21: {  	s3 =	sadd.s32 s3, s9;
	s6 =	sadd.s32 @!p0 $0x88, s6;
	s7 =	simm.s32 @p2 $0x1082  }
0x22: {  	[simem:s7], [sflag:s8] =	dma.local @!p0 [hbm:s6], $0xF7A  }
0x23: {  	s9 =	sor.u32 $0xD0000000, s2;
	s6 =	simm.s32 $0x108;
	_ =	swait.ge @!p0 [sflag:s8], $0x0  }
0x24: {  	s3 =	sadd.s32 $0x88, s3;
	s6 =	simm.s32 @!p1 $0x1082;
	[sflag:s4] =	ssyncset.s32 $0xFFFFF086  }
0x25: {  	[simem:s6], [sflag:s4] =	dma.local [hbm:s3], $0xF7A  }
0x26: {  	[smem:$0x3F9F] =	sst s1;
	(tag) =	ssettag s2;
	_ =	strace s9  }
0x27: {  	s1 =	sld [smem:$0x3FAF]  }
0x28: {  	s2 =	sld [smem:$0x3FB0]  }
0x29: {  	s4 =	sld [smem:$0x3FB2]  }
0x2a: {  	p0 =	seq.s32 s5, $0x0;
	s5 =	sld [smem:$0x3FB3]  }
0x2b: {  	s6 =	sld [smem:$0x3FB4]  }
0x2c: {  	s7 =	sld [smem:$0x3FB5]  }
0x2d: {  	s3 =	simm.s32 $0x108;
	s8 =	sld [smem:$0x3FB6]  }
0x2e: {  	s3 =	simm.s32 @!p0 $0x1082;
	s9 =	sld [smem:$0x3FB7]  }
0x2f: {  	lr =	sadd.s32 s0, s3;
	s0 =	sld [smem:$0x3FAE]  }
0x30: {  	s3 =	sld [smem:$0x3FB1]  }
0x31: {  	[smem:$0x3FBA] =	sst s10  }
0x32: {  	s10 =	sld [smem:$0x3FB8];
	_ =	sdelay $0x3  }
0x33: {  	p0 =	seq.s32 s10, $0x1;
	s10 =	sld [smem:$0x3FBA];
	_ =	sdelay $0x3  }
0x34: {  	[smem:$0x3FBA] =	sst s10  }
0x35: {  	s10 =	sld [smem:$0x3FB9];
	_ =	sdelay $0x3  }
0x36: {  	p1 =	seq.s32 s10, $0x1;
	s10 =	sld [smem:$0x3FBA];
	_ =	sdelay $0x3  }
0x37: {  	[smem:$0x3FBA] =	sst s10  }
0x38: {  	s10 =	sld [smem:$0x3FBB]  }
0x39: {  	_ = 	snop;
	(pc) =	sbr.ind lr, $3  }
0x3a: {  	_ = 	snop  }
0x3b: {  	_ = 	snop  }
0x3c: {  	p2 =	seq.s32 s10, $0x1;
	s10 =	sld [smem:$0x3FBA]  }
0x3d: {  	_ =	shalt  }
0x3e: {  	_ =	shalt  }
0x3f: {  	_ =	shalt  }
0x40: {  	_ =	shalt  }
0x41: {  	_ =	shalt  }
0x42: {  	_ =	shalt  }
0x43: {  	_ =	shalt  }
0x44: {  	_ =	shalt  }
0x45: {  	_ =	shalt  }
0x46: {  	_ =	shalt  }
0x47: {  	_ =	shalt  }
0x48: {  	_ =	shalt  }
0x49: {  	_ =	shalt  }
0x4a: {  	_ =	shalt  }
0x4b: {  	_ =	shalt  }
0x4c: {  	_ =	shalt  }
0x4d: {  	_ =	shalt  }
0x4e: {  	_ =	shalt  }
0x4f: {  	_ =	shalt  }
0x50: {  	_ =	shalt  }
0x51: {  	_ =	shalt  }
0x52: {  	_ =	shalt  }
0x53: {  	_ =	shalt  }
0x54: {  	_ =	shalt  }
0x55: {  	_ =	shalt  }
0x56: {  	_ =	shalt  }
0x57: {  	_ =	shalt  }
0x58: {  	_ =	shalt  }
0x59: {  	_ =	shalt  }
0x5a: {  	_ =	shalt  }
0x5b: {  	_ =	shalt  }
0x5c: {  	_ =	shalt  }
0x5d: {  	_ =	shalt  }
0x5e: {  	_ =	shalt  }
0x5f: {  	_ =	shalt  }
0x60: {  	_ =	shalt  }
0x61: {  	_ =	shalt  }
0x62: {  	_ =	shalt  }
0x63: {  	_ =	shalt  }
0x64: {  	_ =	shalt  }
0x65: {  	_ =	shalt  }
0x66: {  	_ =	shalt  }
0x67: {  	_ =	shalt  }
0x68: {  	_ =	shalt  }
0x69: {  	_ =	shalt  }
0x6a: {  	_ =	shalt  }
0x6b: {  	_ =	shalt  }
0x6c: {  	_ =	shalt  }
0x6d: {  	_ =	shalt  }
0x6e: {  	_ =	shalt  }
0x6f: {  	_ =	shalt  }
0x70: {  	_ =	shalt  }
0x71: {  	_ =	shalt  }
0x72: {  	_ =	shalt  }
0x73: {  	_ =	shalt  }
0x74: {  	_ =	shalt  }
0x75: {  	_ =	shalt  }
0x76: {  	_ =	shalt  }
0x77: {  	_ =	shalt  }
0x78: {  	_ =	shalt  }
0x79: {  	_ =	shalt  }
0x7a: {  	_ =	shalt  }
0x7b: {  	_ =	shalt  }
0x7c: {  	_ =	shalt  }
0x7d: {  	_ =	shalt  }
0x7e: {  	_ =	shalt  }
0x7f: {  	_ =	shalt  }
0x80: {  	_ =	shalt  }
0x81: {  	_ =	shalt  }
0x82: {  	_ =	shalt  }
0x83: {  	_ =	shalt  }
0x84: {  	_ =	shalt  }
0x85: {  	_ =	shalt  }
0x86: {  	_ =	shalt  }
0x87: {  	_ =	shalt  }
.Lfunc_end0:
.L_simem_size_0:
called_computation_lowered:
.L_overlay_start_0:
0x88: {  	s2 =	sld [smem:$0x3FD9]  }
0x89: {  	s3 =	sld [smem:$0x3FFE];
	_ =	sdelay $0x1  }
0x8a: {  	s1 =	srdreg.scid  }
0x8b: {  	s0 =	sand.u32 $0x1, s1  }
0x8c: {  	s14 =	sshll.u32 s0, $0xA;
	s2 =	sadd.s32 s3, s2  }
0x8d: {  	s2 =	sadd.s32 s2, s14  }
0x8e: {  	[smem:$0x3FC6] =	sst s2  }
0x8f: {  	_ = 	snop  }
0x90: {  	s2 =	sld [smem:$0x3FD0];
	_ =	sdelay $0x1  }
0x91: {  	s15 =	sld [smem:$0x3FC9]  }
0x92: {  	s5 =	simm.s32 $0xA;
	s6 =	simm.s32 $0x10;
	s4 =	sld [smem:$0x3FC8]  }
0x93: {  	[smem:s6], [sflag:s5] =	dma.local [hbm:s2], $0x1  }
0x94: {  	_ =	swait.eq [sflag:s5], $0x1  }
0x95: {  	[sflag:s5] =	ssyncset.done $0x0  }
0x96: {  	[sflag:s5] =	ssyncadd.s32 $0xFFFFFFFF  }
0x97: {  	s16 =	sld [smem:$0x11];
	(tm) =	ssettm $0x1  }
0x98: {  	s17 =	sld [smem:$0x3FFB];
	_ =	sdelay $0x3  }
0x99: {  	_ =	strace s17  }
0x9a: {  	s5 =	sld [smem:$0x3FFC];
	_ =	sdelay $0x3  }
0x9b: {  	_ =	strace s5  }
0x9c: {  	s5 =	sld [smem:$0x3FFD];
	_ =	sdelay $0x3  }
0x9d: {  	_ =	strace s5  }
0x9e: {  	_ =	strace $0x8FFFFFFF  }
0x9f: {  	s18 =	sld [smem:$0x3FDB];
	_ =	sdelay $0x1  }
0xa0: {  	s19 =	simm.s32 $_scs_section_size  }
0xa1: {  	s7 =	simm.s32 $_size__tile_overlayer_lowered;
	s8 =	simm.s32 $_tile_overlayer_lowered  }
0xa2: {  	s22 =	simm.s32 $0x1BFF;
	s21 =	sshll.u32 s8, $0x1;
	s5 =	sadd.s32 s19, s18  }
0xa3: {  	s9 =	simm.s32 $0x0;
	s20 =	sshll.u32 s7, $0x1;
	s7 =	sadd.s32 s21, s5  }
0xa4: {  	[timem:s9], [sflag:s22] =	dma.local [hbm:s7], s20  }
0xa5: {  	_ =	swait.ge [sflag:s22], s20  }
0xa6: {  	s6 =	ssub.s32 $0x0, s20;
	[sflag:s22] =	ssyncset.done $0x0  }
0xa7: {  	[sflag:s22] =	ssyncadd.s32 s6;
	_ =	sdelay $0x1  }
0xa8: {  	s23 =	simm.s32 $0x1B8B  }
0xa9: {  	_ =	swait.ge [sflag:s23], $0x1  }
0xaa: {  	[sflag:s23] =	ssyncset.done $0x0  }
0xab: {  	s25 =	simm.s32 $0x1B8E;
	s24 =	sld [smem:$0x3FFE];
	[sflag:s23] =	ssyncadd.s32 $0xFFFFFFFF  }
0xac: {  	s26 =	simm.s32 $execute0_lowered;
	[smem:$0x3FD2] =	sst s25  }
0xad: {  	s7 =	sshll.u32 s26, $0x1;
	_ =	strace $0x80000046;
	[dreg:$0x1] =	wrdreg $0xFFFFFFFF  }
0xae: {  	s28 =	simm.s32 $_size_execute0_lowered;
	s5 =	sadd.s32 s5, s7;
	[dreg:$0x0] =	wrdreg $0x0  }
0xaf: {  	s7 =	sshll.u32 s28, $0x1;
	[dreg:$0x2] =	wrdreg s5  }
0xb0: {  	[dreg:$0x3] =	wrdreg s7  }
0xb1: {  	[dreg:$0x4] =	wrdreg $0xC0  }
0xb2: {  	_ =	task [dreg:s9], $0x5FFFF  }
0xb3: {  	[dreg:$0x1] =	wrdreg $0xFFFFFFFF  }
0xb4: {  	[dreg:$0x0] =	wrdreg $0x60  }
0xb5: {  	[dreg:$0x2] =	wrdreg s4  }
0xb6: {  	[dreg:$0x3] =	wrdreg s24  }
0xb7: {  	[dreg:$0x4] =	wrdreg s15  }
0xb8: {  	[dreg:$0x5] =	wrdreg s16  }
0xb9: {  	[dreg:$0x6] =	wrdreg $0x9  }
0xba: {  	_ =	task.clear_ibuf [dreg:s9], $0x7FFFF;
	_ =	strace $0x90000046  }
0xbb: {  	s29 =	simm.s32 $0x9;
	_ =	strace $0x80000048  }
0xbc: {  	_ =	swait.ge [sflag:s29], $0x1  }
0xbd: {  	[sflag:s29] =	ssyncadd.s32 $0xFFFFFFFF  }
0xbe: {  	_ =	strace $0x90000048  }
0xbf: {  	_ =	sfence  }
0xc0: {  	s30 =	sld [smem:$0x0];
	_ =	sdelay $0x2  }
0xc1: {  	s31 =	sshll.u32 s1, $0xD;
	s1 =	sshrl.u32 s1, $0x2  }
0xc2: {  	s3 =	sand.u32 $0x4000, s31;
	s1 =	sadd.s32 s1, s30  }
0xc3: {  	s0 =	sor.u32 s3, s0;
	s1 =	sshll.u32 s1, $0x11  }
0xc4: {  	s0 =	sor.u32 s1, s0  }
0xc5: {  	s0 =	sadd.s32 $0x8F2B, s0  }
0xc6: {  	[sflag:s0] =	ssyncadd.remote.s32 $0x1  }
0xc7: {  	_ =	sfence.sel $0xFFFF  }
0xc8: {  	[dreg:$0x0] =	wrdreg $0xFFFFFFFF;
	(pc) =	sbr.abs _section_cstart, $3  }
0xc9: {  	[dreg:$0x1] =	wrdreg $0xFFFFFFFF  }
0xca: {  	_ =	task.clear_ibuf [dreg:s9], $0x2FFFF;
	_ =	strace $0x9FFFFFFF  }
0xcb: {  	(tm) =	ssettm $0x7FFFFFFF  }
tec
execute0_lowered:
.L_overlay_start_1:
0x0: {  	(tag) =	ssettag $0x1  }
0x1: {  	s1 =	rddreg [dreg:$0x0]  }
0x2: {  	s0 =	rddreg [dreg:$0x1]  }
0x3: {  	s2 =	rddreg [dreg:$0x2]  }
0x4: {  	s4 =	rddreg [dreg:$0x3]  }
0x5: {  	s5 =	srdreg.scid;
	s6 =	stileid.u32;
	s3 =	simm.s32 $0x0  }
0x6: {  	s15 =	simm.s32 $0x5;
	s16 =	simm.s32 $0x100;
	s28 =	simm.s32 $0x4100  }
0x7: {  	s29 =	simm.s32 $0x4900;
	s30 =	simm.s32 $0x5100;
	s31 =	simm.s32 $0x5900  }
0x8: {  	s17 =	simm.s32 $0x7100;
	s18 =	simm.s32 $0x7900;
	s19 =	simm.s32 $0x2  }
0x9: {  	s5 =	sand.u32 $0x1, s5;
	s6 =	sshll.u32 s6, $0x1;
	[smem:$0x7FF] =	sst s3  }
0xa: {  	s20 =	simm.s32 $0x0;
	s6 =	sor.u32 s5, s6;
	_ =	strace $0x80000047  }
0xb: {  	s5 =	ssub.s32 $0x2, s5;
	s7 =	sshll.u32 s6, $0x5;
	s8 =	sshll.u32 s6, $0x4  }
0xc: {  	s9 =	sshrl.u32 s5, $0x1;
	s6 =	sshll.u32 s6, $0xD;
	s7 =	sadd.s32 s7, s0  }
0xd: {  	s0 =	sadd.s32 s8, s0;
	s5 =	ssub.s32 s5, s9;
	s23 =	sadd.s32 s2, s6  }
0xe: {  	s24 =	sor.u32 $0x800, s6;
	s26 =	sadd.s32 s4, s6;
	s11 =	sor.u32 $0x1000, s6  }
0xf: {  	s6 =	sor.u32 $0x1800, s6;
	s7 =	sadd.s32 $0x600, s7;
	[dreg:$0x6] =	wrdreg s23  }
0x10: {  	s25 =	sadd.s32 s2, s24;
	[dreg:$0x8] =	wrdreg s26;
	s8 =	sadd.s32 s2, s11  }
0x11: {  	s9 =	sadd.s32 s4, s24;
	s10 =	sadd.s32 s2, s6;
	s11 =	sadd.s32 s4, s11  }
0x12: {  	s12 =	sadd.s32 s4, s6;
	s13 =	sadd.s32 $0xC00, s0;
	s14 =	smax.u32 s5, $0x1  }
0x13: {  	v2 =	vlaneseq.u32;
	s24 =	simm.s32 $0x8100;
	s26 =	simm.s32 $0x3;
	s0 =	simm.s32 $0x6100  }
0x14: {  	vm0 =	vmmov $0xffff;
	v1 =	vshrl.u32 v2, $0x3;
	s2 =	simm.s32 $0x6900;
	s4 =	simm.s32 $0xC100;
	[dreg:$0x5] =	wrdreg s7  }
0x15: {  	v0 =	vand.u32 $0x7, v2;
	v2 =	vor.u32 $0x8, v2;
	v1 =	vmul.u32 $0x8, v1;
	s5 =	simm.s32 $0x4;
	[dreg:$0x7] =	wrdreg s25;
	s25 =	simm.s32 $0x1  }
.LBB2_1:
0x16: {  	s6 =	rddreg [dreg:$0x5]  }
0x17: {  	[tilespmem:s3], [sflag:$0x5] =	stream.linear.gather [hbm4b:s6+s3], $0x100, $0x38;
	[tilespmem:$0x10180] =	vst v63  }
0x18: {  	_ =	swait.ge [sflag:s15], $0x100  }
0x19: {  	[sflag:s15] =	ssyncset.done $0x0  }
0x1a: {  	[sflag:s15] =	ssyncadd.s32 $0xFFFFFF00  }
0x1b: {  	v3 =	vld [tilespmem:$0x0];
	_ =	sdelay $0x4  }
0x1c: {  	v4 =	vshll.u32 v3, $0x1  }
0x1d: {  	v3 =	vand.u32 $0x7, v3;
	v4 =	vand.u32 $0xFFFFFFF0, v4  }
0x1e: {  	v3 =	vor.u32 v3, v4  }
0x1f: {  	v4 =	vperm.xlane v3, v0;
	_ =	sdelay $0x1  }
0x20: {  	v3 =	vperm.xlane v3, v2;
	v4 =	vadd.s32 v1, v4;
	_ =	sdelay $0x1  }
0x21: {  	v3 =	vadd.s32 v1, v3;
	_ =	sdelay $0x2  }
0x22: {  	[tilespmem:s16], [sflag:$0x1] =	stream.indirect_vreg.gather [hbm4b:s1+s3], $0x80, v4, vm0, $0xb8;
	[tilespmem:$0x10180] =	vst v63  }
0x23: {  	s22 =	simm.s32 $0x900  }
0x24: {  	[tilespmem:s22], [sflag:$0x1] =	stream.indirect_vreg.gather [hbm4b:s1+s3], $0x80, v3, vm0, $0xb8;
	[tilespmem:$0x10180] =	vst v63  }
0x25: {  	v3 =	vld [tilespmem:$0x10];
	_ =	sdelay $0x4  }
0x26: {  	v4 =	vshll.u32 v3, $0x1  }
0x27: {  	v3 =	vand.u32 $0x7, v3;
	v4 =	vand.u32 $0xFFFFFFF0, v4  }
0x28: {  	v3 =	vor.u32 v3, v4  }
0x29: {  	v4 =	vperm.xlane v3, v0;
	_ =	sdelay $0x1  }
0x2a: {  	v3 =	vperm.xlane v3, v2;
	v4 =	vadd.s32 v1, v4;
	_ =	sdelay $0x1  }
0x2b: {  	v3 =	vadd.s32 v1, v3;
	_ =	sdelay $0x1  }
0x2c: {  	s23 =	simm.s32 $0x1100  }
0x2d: {  	[tilespmem:s23], [sflag:$0x1] =	stream.indirect_vreg.gather [hbm4b:s1+s3], $0x80, v4, vm0, $0xb8;
	[tilespmem:$0x10180] =	vst v63  }
0x2e: {  	s7 =	simm.s32 $0x1900  }
0x2f: {  	[tilespmem:s7], [sflag:$0x1] =	stream.indirect_vreg.gather [hbm4b:s1+s3], $0x80, v3, vm0, $0xb8;
	[tilespmem:$0x10180] =	vst v63  }
0x30: {  	v3 =	vld [tilespmem:$0x20];
	_ =	sdelay $0x4  }
0x31: {  	v4 =	vshll.u32 v3, $0x1  }
0x32: {  	v3 =	vand.u32 $0x7, v3;
	v4 =	vand.u32 $0xFFFFFFF0, v4  }
0x33: {  	v3 =	vor.u32 v3, v4  }
0x34: {  	v4 =	vperm.xlane v3, v0;
	_ =	sdelay $0x1  }
0x35: {  	v3 =	vperm.xlane v3, v2;
	v4 =	vadd.s32 v1, v4;
	_ =	sdelay $0x1  }
0x36: {  	v3 =	vadd.s32 v1, v3;
	_ =	sdelay $0x1  }
0x37: {  	s21 =	simm.s32 $0x2100  }
0x38: {  	[tilespmem:s21], [sflag:$0x1] =	stream.indirect_vreg.gather [hbm4b:s1+s3], $0x80, v4, vm0, $0xb8;
	[tilespmem:$0x10180] =	vst v63  }
0x39: {  	s22 =	simm.s32 $0x2900  }
0x3a: {  	[tilespmem:s22], [sflag:$0x1] =	stream.indirect_vreg.gather [hbm4b:s1+s3], $0x80, v3, vm0, $0xb8;
	[tilespmem:$0x10180] =	vst v63  }
0x3b: {  	v3 =	vld [tilespmem:$0x30];
	_ =	sdelay $0x4  }
0x3c: {  	v4 =	vshll.u32 v3, $0x1  }
0x3d: {  	v3 =	vand.u32 $0x7, v3;
	v4 =	vand.u32 $0xFFFFFFF0, v4  }
0x3e: {  	v3 =	vor.u32 v3, v4  }
0x3f: {  	v4 =	vperm.xlane v3, v0;
	_ =	sdelay $0x1  }
0x40: {  	v3 =	vperm.xlane v3, v2;
	v4 =	vadd.s32 v1, v4;
	_ =	sdelay $0x1  }
0x41: {  	v3 =	vadd.s32 v1, v3;
	_ =	sdelay $0x1  }
0x42: {  	s23 =	simm.s32 $0x3100  }
0x43: {  	[tilespmem:s23], [sflag:$0x1] =	stream.indirect_vreg.gather [hbm4b:s1+s3], $0x80, v4, vm0, $0xb8;
	[tilespmem:$0x10180] =	vst v63  }
0x44: {  	s7 =	simm.s32 $0x3900  }
0x45: {  	[tilespmem:s7], [sflag:$0x1] =	stream.indirect_vreg.gather [hbm4b:s1+s3], $0x80, v3, vm0, $0xb8;
	[tilespmem:$0x10180] =	vst v63  }
0x46: {  	s21 =	rddreg [dreg:$0x6]  }
0x47: {  	[tilespmem:s24], [sflag:$0x3] =	stream.linear.gather [hbm4b:s21+s3], $0x4000, $0x38;
	[tilespmem:$0x10180] =	vst v63  }
0x48: {  	_ =	swait.ge [sflag:s25], $0x4000  }
0x49: {  	[sflag:s25] =	ssyncset.done $0x0  }
0x4a: {  	[sflag:s25] =	ssyncadd.s32 $0xFFFFC000  }
0x4b: {  	_ =	swait.ge [sflag:s26], $0x4000  }
0x4c: {  	[sflag:s26] =	ssyncset.done $0x0  }
0x4d: {  	[sflag:s26] =	ssyncadd.s32 $0xFFFFC000  }
0x4e: {  	v3 =	vld [tilespmem:$0x40];
	_ =	sdelay $0x4  }
0x4f: {  	v4 =	vshll.u32 v3, $0x1  }
0x50: {  	v3 =	vand.u32 $0x7, v3;
	v4 =	vand.u32 $0xFFFFFFF0, v4  }
0x51: {  	v3 =	vor.u32 v3, v4  }
0x52: {  	v4 =	vperm.xlane v3, v0;
	_ =	sdelay $0x1  }
0x53: {  	v3 =	vperm.xlane v3, v2;
	v4 =	vadd.s32 v1, v4;
	_ =	sdelay $0x1  }
0x54: {  	v3 =	vadd.s32 v1, v3;
	_ =	sdelay $0x2  }
0x55: {  	[tilespmem:s28], [sflag:$0x2] =	stream.indirect_vreg.gather [hbm4b:s1+s3], $0x80, v4, vm0, $0xb8;
	[tilespmem:$0x10180] =	vst v63  }
0x56: {  	_ = 	snop  }
0x57: {  	[tilespmem:s29], [sflag:$0x2] =	stream.indirect_vreg.gather [hbm4b:s1+s3], $0x80, v3, vm0, $0xb8;
	[tilespmem:$0x10180] =	vst v63  }
0x58: {  	v3 =	vld [tilespmem:$0x50];
	_ =	sdelay $0x4  }
0x59: {  	v4 =	vshll.u32 v3, $0x1  }
0x5a: {  	v3 =	vand.u32 $0x7, v3;
	v4 =	vand.u32 $0xFFFFFFF0, v4  }
0x5b: {  	v3 =	vor.u32 v3, v4  }
0x5c: {  	v4 =	vperm.xlane v3, v0;
	_ =	sdelay $0x1  }
0x5d: {  	v3 =	vperm.xlane v3, v2;
	v4 =	vadd.s32 v1, v4;
	_ =	sdelay $0x1  }
0x5e: {  	v3 =	vadd.s32 v1, v3;
	_ =	sdelay $0x2  }
0x5f: {  	[tilespmem:s30], [sflag:$0x2] =	stream.indirect_vreg.gather [hbm4b:s1+s3], $0x80, v4, vm0, $0xb8;
	[tilespmem:$0x10180] =	vst v63  }
0x60: {  	_ = 	snop  }
0x61: {  	[tilespmem:s31], [sflag:$0x2] =	stream.indirect_vreg.gather [hbm4b:s1+s3], $0x80, v3, vm0, $0xb8;
	[tilespmem:$0x10180] =	vst v63  }
0x62: {  	v3 =	vld [tilespmem:$0x60];
	_ =	sdelay $0x4  }
0x63: {  	v4 =	vshll.u32 v3, $0x1  }
0x64: {  	v3 =	vand.u32 $0x7, v3;
	v4 =	vand.u32 $0xFFFFFFF0, v4  }
0x65: {  	v3 =	vor.u32 v3, v4  }
0x66: {  	v4 =	vperm.xlane v3, v0;
	_ =	sdelay $0x1  }
0x67: {  	v3 =	vperm.xlane v3, v2;
	v4 =	vadd.s32 v1, v4;
	_ =	sdelay $0x1  }
0x68: {  	v3 =	vadd.s32 v1, v3;
	_ =	sdelay $0x2  }
0x69: {  	[tilespmem:s0], [sflag:$0x2] =	stream.indirect_vreg.gather [hbm4b:s1+s3], $0x80, v4, vm0, $0xb8;
	[tilespmem:$0x10180] =	vst v63  }
0x6a: {  	_ = 	snop  }
0x6b: {  	[tilespmem:s2], [sflag:$0x2] =	stream.indirect_vreg.gather [hbm4b:s1+s3], $0x80, v3, vm0, $0xb8;
	[tilespmem:$0x10180] =	vst v63  }
0x6c: {  	v3 =	vld [tilespmem:$0x70];
	_ =	sdelay $0x4  }
0x6d: {  	v4 =	vshll.u32 v3, $0x1  }
0x6e: {  	v3 =	vand.u32 $0x7, v3;
	v4 =	vand.u32 $0xFFFFFFF0, v4  }
0x6f: {  	v3 =	vor.u32 v3, v4  }
0x70: {  	v4 =	vperm.xlane v3, v0;
	_ =	sdelay $0x1  }
0x71: {  	v3 =	vperm.xlane v3, v2;
	v4 =	vadd.s32 v1, v4;
	_ =	sdelay $0x1  }
0x72: {  	v3 =	vadd.s32 v1, v3;
	_ =	sdelay $0x2  }
0x73: {  	[tilespmem:s17], [sflag:$0x2] =	stream.indirect_vreg.gather [hbm4b:s1+s3], $0x80, v4, vm0, $0xb8;
	[tilespmem:$0x10180] =	vst v63  }
0x74: {  	s23 =	sand.u32 $0x3800, s3;
	s21 =	sand.u32 $0x380, s3  }
0x75: {  	[tilespmem:s18], [sflag:$0x2] =	stream.indirect_vreg.gather [hbm4b:s1+s3], $0x80, v3, vm0, $0xb8;
	[tilespmem:$0x10180] =	vst v63  }
0x76: {  	s21 =	sor.u32 s21, s23;
	s22 =	rddreg [dreg:$0x7]  }
0x77: {  	[tilespmem:s4], [sflag:$0x4] =	stream.linear.gather [hbm4b:s22+s3], $0x4000, $0x38;
	[tilespmem:$0x10180] =	vst v63  }
0x78: {  	v3 =	vld [tilespmem:s21+$0x100]  }
0x79: {  	v6 =	vld [tilespmem:s21+$0x8100]  }
0x7a: {  	v12 =	vld [tilespmem:s21+$0x110]  }
0x7b: {  	v14 =	vld [tilespmem:s21+$0x8110]  }
0x7c: {  	v15 =	vld [tilespmem:s21+$0x120]  }
0x7d: {  	v16 =	vld [tilespmem:s21+$0x8120]  }
0x7e: {  	v17 =	vld [tilespmem:s21+$0x130]  }
0x7f: {  	v18 =	vld [tilespmem:s21+$0x8130]  }
0x80: {  	v19 =	vld [tilespmem:s21+$0x140]  }
0x81: {  	v20 =	vld [tilespmem:s21+$0x8140]  }
0x82: {  	v25 =	vld [tilespmem:s21+$0x150]  }
0x83: {  	v26 =	vld [tilespmem:s21+$0x8150]  }
0x84: {  	v27 =	vld [tilespmem:s21+$0x160]  }
0x85: {  	v28 =	vld [tilespmem:s21+$0x8160]  }
0x86: {  	v29 =	vld [tilespmem:s21+$0x170]  }
0x87: {  	v30 =	vld [tilespmem:s21+$0x8170]  }
0x88: {  	v31 =	vld [tilespmem:s21+$0x500]  }
0x89: {  	v32 =	vld [tilespmem:s21+$0x8500]  }
0x8a: {  	v9 =	vld [tilespmem:s21+$0x510]  }
0x8b: {  	v13 =	vld [tilespmem:s21+$0x8510]  }
0x8c: {  	v7 =	vld [tilespmem:s21+$0x520]  }
0x8d: {  	v11 =	vld [tilespmem:s21+$0x8520]  }
0x8e: {  	v5 =	vld [tilespmem:s21+$0x530]  }
0x8f: {  	v10 =	vld [tilespmem:s21+$0x8530]  }
0x90: {  	v4 =	vld [tilespmem:s21+$0x540]  }
0x91: {  	v8 =	vld [tilespmem:s21+$0x8540];
	v22 =	vsub.f32 v3, v6  }
0x92: {  	v24 =	vsub.f32 v12, v14;
	v21 =	vsub.f32 v15, v16;
	v6 =	vld [tilespmem:s21+$0x550]  }
0x93: {  	v23 =	vsub.f32 v17, v18;
	v18 =	vsub.f32 v19, v20;
	v14 =	vld [tilespmem:s21+$0x8550]  }
0x94: {  	v20 =	vsub.f32 v25, v26;
	v16 =	vsub.f32 v27, v28;
	v12 =	vld [tilespmem:s21+$0x560]  }
0x95: {  	s6 =	simm.s32 $0x80;
	s22 =	simm.s32 $0x100;
	v3 =	vimm.f32 $0.0e+00;
	v19 =	vsub.f32 v29, v30;
	v15 =	vsub.f32 v31, v32;
	v17 =	vld [tilespmem:s21+$0x8560]  }
.LBB2_2:
0x96: {  	s7 =	sand.u32 $0x3800, s22;
	s23 =	sand.u32 $0x380, s6;
	p0 =	sne.s32 s22, $0x3F00;
	v22 =	vmul.f32 v22, v22;
	v24 =	vmul.f32 v24, v24;
	v9 =	vsub.f32 v9, v13;
	v13 =	vld [tilespmem:s21+$0x570]  }
0x97: {  	v21 =	vmul.f32 v21, v21;
	v23 =	vmul.f32 v23, v23;
	v7 =	vsub.f32 v7, v11;
	v11 =	vld [tilespmem:s21+$0x8570];
	s21 =	sor.u32 s23, s7  }
0x98: {  	v18 =	vmul.f32 v18, v18;
	v20 =	vmul.f32 v20, v20;
	v5 =	vsub.f32 v5, v10;
	v25 =	vld [tilespmem:s21+$0x100]  }
0x99: {  	v10 =	vmul.f32 v16, v16;
	v4 =	vsub.f32 v4, v8;
	v16 =	vmul.f32 v19, v19;
	v26 =	vld [tilespmem:s21+$0x8100]  }
0x9a: {  	v8 =	vmul.f32 v15, v15;
	v9 =	vmul.f32 v9, v9;
	v6 =	vsub.f32 v6, v14;
	v19 =	vld [tilespmem:s21+$0x110]  }
0x9b: {  	v7 =	vmul.f32 v7, v7;
	v5 =	vmul.f32 v5, v5;
	v12 =	vsub.f32 v12, v17;
	v14 =	vld [tilespmem:s21+$0x8110]  }
0x9c: {  	v4 =	vmul.f32 v4, v4;
	v6 =	vmul.f32 v6, v6;
	v15 =	vld [tilespmem:s21+$0x120];
	v11 =	vsub.f32 v13, v11  }
0x9d: {  	v21 =	vadd.f32 v23, v21;
	v12 =	vmul.f32 v12, v12;
	v13 =	vadd.f32 v24, v22;
	v17 =	vld [tilespmem:s21+$0x8120]  }
0x9e: {  	v18 =	vadd.f32 v20, v18;
	v10 =	vadd.f32 v16, v10;
	v23 =	vld [tilespmem:s21+$0x130];
	v11 =	vmul.f32 v11, v11  }
0x9f: {  	v8 =	vadd.f32 v9, v8;
	v5 =	vadd.f32 v5, v7;
	v16 =	vld [tilespmem:s21+$0x8130]  }
0xa0: {  	v4 =	vadd.f32 v6, v4;
	v20 =	vld [tilespmem:s21+$0x140];
	v6 =	vadd.f32 v11, v12  }
0xa1: {  	v9 =	vadd.f32 v10, v18;
	v7 =	vadd.f32 v21, v13;
	v12 =	vld [tilespmem:s21+$0x8140]  }
0xa2: {  	v5 =	vadd.f32 v5, v8;
	v27 =	vld [tilespmem:s21+$0x150];
	v4 =	vadd.f32 v6, v4  }
0xa3: {  	v28 =	vld [tilespmem:s21+$0x8150]  }
0xa4: {  	v6 =	vadd.f32 v9, v7;
	v29 =	vld [tilespmem:s21+$0x160];
	v4 =	vadd.f32 v4, v5  }
0xa5: {  	v30 =	vld [tilespmem:s21+$0x8160]  }
0xa6: {  	v31 =	vld [tilespmem:s21+$0x170];
	v4 =	vadd.f32 v4, v6  }
0xa7: {  	v32 =	vld [tilespmem:s21+$0x8170]  }
0xa8: {  	v33 =	vld [tilespmem:s21+$0x500];
	v3 =	vadd.f32 v4, v3  }
0xa9: {  	v34 =	vld [tilespmem:s21+$0x8500]  }
0xaa: {  	v9 =	vld [tilespmem:s21+$0x510]  }
0xab: {  	v13 =	vld [tilespmem:s21+$0x8510]  }
0xac: {  	v7 =	vld [tilespmem:s21+$0x520]  }
0xad: {  	v11 =	vld [tilespmem:s21+$0x8520]  }
0xae: {  	v5 =	vld [tilespmem:s21+$0x530]  }
0xaf: {  	v10 =	vld [tilespmem:s21+$0x8530]  }
0xb0: {  	v4 =	vld [tilespmem:s21+$0x540]  }
.Ltmp0:
0xb1: {  	v22 =	vsub.f32 v25, v26;
	v8 =	vld [tilespmem:s21+$0x8540];
	(pc) =	sbr.rel @p0 .LBB2_2-.Ltmp0, $4  }
0xb2: {  	v24 =	vsub.f32 v19, v14;
	v21 =	vsub.f32 v15, v17;
	v6 =	vld [tilespmem:s21+$0x550]  }
0xb3: {  	v23 =	vsub.f32 v23, v16;
	v18 =	vsub.f32 v20, v12;
	v14 =	vld [tilespmem:s21+$0x8550]  }
0xb4: {  	v20 =	vsub.f32 v27, v28;
	v16 =	vsub.f32 v29, v30;
	v12 =	vld [tilespmem:s21+$0x560]  }
0xb5: {  	s6 =	sadd.s32 $0x80, s6;
	s22 =	sadd.s32 $0x100, s22;
	v19 =	vsub.f32 v31, v32;
	v15 =	vsub.f32 v33, v34;
	v17 =	vld [tilespmem:s21+$0x8560]  }
0xb6: {  	v25 =	vld [tilespmem:s21+$0x570];
	s6 =	simm.s32 $0x0;
	s7 =	rddreg [dreg:$0x8]  }
0xb7: {  	v26 =	vld [tilespmem:s21+$0x8570];
	[hbm4b:s7+s6] =	stream.linear.scatter [tilespmem:s16], [sflag:$0x5], $0x4000, $0x38  }
0xb8: {  	_ =	swait.ge [sflag:s15], $0x4000  }
0xb9: {  	[sflag:s15] =	ssyncset.done $0x0  }
0xba: {  	[sflag:s15] =	ssyncadd.s32 $0xFFFFC000  }
0xbb: {  	_ =	swait.ge [sflag:s19], $0x4000  }
0xbc: {  	[sflag:s19] =	ssyncset.done $0x0  }
0xbd: {  	[sflag:s19] =	ssyncadd.s32 $0xFFFFC000  }
0xbe: {  	_ =	swait.ge [sflag:s5], $0x4000  }
0xbf: {  	[sflag:s5] =	ssyncset.done $0x0  }
0xc0: {  	[sflag:s5] =	ssyncadd.s32 $0xFFFFC000  }
0xc1: {  	v27 =	vld [tilespmem:$0x80];
	_ =	sdelay $0x4  }
0xc2: {  	v28 =	vshll.u32 v27, $0x1  }
0xc3: {  	v27 =	vand.u32 $0x7, v27;
	v28 =	vand.u32 $0xFFFFFFF0, v28  }
0xc4: {  	v27 =	vor.u32 v27, v28  }
0xc5: {  	v28 =	vperm.xlane v27, v0;
	_ =	sdelay $0x1  }
0xc6: {  	v27 =	vperm.xlane v27, v2;
	v28 =	vadd.s32 v1, v28;
	_ =	sdelay $0x1  }
0xc7: {  	v27 =	vadd.s32 v1, v27;
	_ =	sdelay $0x2  }
0xc8: {  	[tilespmem:s16], [sflag:$0x1] =	stream.indirect_vreg.gather [hbm4b:s1+s6], $0x80, v28, vm0, $0xb8;
	[tilespmem:$0x10180] =	vst v63  }
0xc9: {  	s22 =	simm.s32 $0x900  }
0xca: {  	[tilespmem:s22], [sflag:$0x1] =	stream.indirect_vreg.gather [hbm4b:s1+s6], $0x80, v27, vm0, $0xb8;
	[tilespmem:$0x10180] =	vst v63  }
0xcb: {  	v27 =	vld [tilespmem:$0x90];
	_ =	sdelay $0x4  }
0xcc: {  	v61 =	vshll.u32 v27, $0x1  }
0xcd: {  	v27 =	vand.u32 $0x7, v27;
	v28 =	vand.u32 $0xFFFFFFF0, v61  }
0xce: {  	v27 =	vor.u32 v27, v28  }
0xcf: {  	v28 =	vperm.xlane v27, v0;
	_ =	sdelay $0x1  }
0xd0: {  	v27 =	vperm.xlane v27, v2;
	v28 =	vadd.s32 v1, v28;
	_ =	sdelay $0x1  }
0xd1: {  	v27 =	vadd.s32 v1, v27;
	_ =	sdelay $0x1  }
0xd2: {  	s23 =	simm.s32 $0x1100  }
0xd3: {  	[tilespmem:s23], [sflag:$0x1] =	stream.indirect_vreg.gather [hbm4b:s1+s6], $0x80, v28, vm0, $0xb8;
	[tilespmem:$0x10180] =	vst v63  }
0xd4: {  	s21 =	simm.s32 $0x1900  }
0xd5: {  	[tilespmem:s21], [sflag:$0x1] =	stream.indirect_vreg.gather [hbm4b:s1+s6], $0x80, v27, vm0, $0xb8;
	[tilespmem:$0x10180] =	vst v63  }
0xd6: {  	v27 =	vld [tilespmem:$0xA0];
	_ =	sdelay $0x4  }
0xd7: {  	v62 =	vshll.u32 v27, $0x1  }
0xd8: {  	v27 =	vand.u32 $0x7, v27;
	v28 =	vand.u32 $0xFFFFFFF0, v62  }
0xd9: {  	v27 =	vor.u32 v27, v28  }
0xda: {  	v28 =	vperm.xlane v27, v0;
	_ =	sdelay $0x1  }
0xdb: {  	v27 =	vperm.xlane v27, v2;
	v28 =	vadd.s32 v1, v28;
	_ =	sdelay $0x1  }
0xdc: {  	v27 =	vadd.s32 v1, v27;
	_ =	sdelay $0x1  }
0xdd: {  	s22 =	simm.s32 $0x2100  }
0xde: {  	[tilespmem:s22], [sflag:$0x1] =	stream.indirect_vreg.gather [hbm4b:s1+s6], $0x80, v28, vm0, $0xb8;
	[tilespmem:$0x10180] =	vst v63  }
0xdf: {  	s23 =	simm.s32 $0x2900  }
0xe0: {  	[tilespmem:s23], [sflag:$0x1] =	stream.indirect_vreg.gather [hbm4b:s1+s6], $0x80, v27, vm0, $0xb8;
	[tilespmem:$0x10180] =	vst v63  }
0xe1: {  	v27 =	vld [tilespmem:$0xB0];
	_ =	sdelay $0x4  }
0xe2: {  	v63 =	vshll.u32 v27, $0x1  }
0xe3: {  	v27 =	vand.u32 $0x7, v27;
	v28 =	vand.u32 $0xFFFFFFF0, v63  }
0xe4: {  	v27 =	vor.u32 v27, v28  }
0xe5: {  	v28 =	vperm.xlane v27, v0;
	_ =	sdelay $0x1  }
0xe6: {  	v27 =	vperm.xlane v27, v2;
	v28 =	vadd.s32 v1, v28;
	_ =	sdelay $0x1  }
0xe7: {  	v27 =	vadd.s32 v1, v27;
	_ =	sdelay $0x1  }
0xe8: {  	s21 =	simm.s32 $0x3100  }
0xe9: {  	[tilespmem:s21], [sflag:$0x1] =	stream.indirect_vreg.gather [hbm4b:s1+s6], $0x80, v28, vm0, $0xb8;
	[tilespmem:$0x10180] =	vst v63  }
0xea: {  	s22 =	simm.s32 $0x3900  }
0xeb: {  	[tilespmem:s22], [sflag:$0x1] =	stream.indirect_vreg.gather [hbm4b:s1+s6], $0x80, v27, vm0, $0xb8;
	[tilespmem:$0x10180] =	vst v63  }
0xec: {  	_ = 	snop  }
0xed: {  	[tilespmem:s24], [sflag:$0x3] =	stream.linear.gather [hbm4b:s8+s6], $0x4000, $0x38;
	[tilespmem:$0x10180] =	vst v63  }
0xee: {  	s23 =	sand.u32 $0x3800, s6;
	s6 =	sand.u32 $0x380, s6  }
0xef: {  	s21 =	sor.u32 s6, s23  }
0xf0: {  	v27 =	vld [tilespmem:s21+$0x4100]  }
0xf1: {  	v28 =	vld [tilespmem:s21+$0xC100]  }
0xf2: {  	v29 =	vld [tilespmem:s21+$0x4110]  }
0xf3: {  	v30 =	vld [tilespmem:s21+$0xC110]  }
0xf4: {  	v31 =	vld [tilespmem:s21+$0x4120]  }
0xf5: {  	v32 =	vld [tilespmem:s21+$0xC120]  }
0xf6: {  	v9 =	vsub.f32 v9, v13;
	v13 =	vld [tilespmem:s21+$0x4130]  }
0xf7: {  	v7 =	vsub.f32 v7, v11;
	v5 =	vsub.f32 v5, v10;
	v33 =	vld [tilespmem:s21+$0xC130]  }
0xf8: {  	v10 =	vmul.f32 v22, v22;
	v11 =	vmul.f32 v24, v24;
	v4 =	vsub.f32 v4, v8;
	v34 =	vld [tilespmem:s21+$0x4140]  }
0xf9: {  	v8 =	vmul.f32 v21, v21;
	v21 =	vmul.f32 v23, v23;
	v6 =	vsub.f32 v6, v14;
	v14 =	vld [tilespmem:s21+$0xC140]  }
0xfa: {  	v18 =	vmul.f32 v18, v18;
	v20 =	vmul.f32 v20, v20;
	v12 =	vsub.f32 v12, v17;
	v17 =	vld [tilespmem:s21+$0x4150]  }
0xfb: {  	v16 =	vmul.f32 v16, v16;
	v19 =	vmul.f32 v19, v19;
	v22 =	vsub.f32 v25, v26;
	v25 =	vld [tilespmem:s21+$0xC150]  }
0xfc: {  	v15 =	vmul.f32 v15, v15;
	v9 =	vmul.f32 v9, v9;
	v10 =	vadd.f32 v11, v10;
	v26 =	vld [tilespmem:s21+$0x4160]  }
0xfd: {  	v7 =	vmul.f32 v7, v7;
	v5 =	vmul.f32 v5, v5;
	v8 =	vadd.f32 v21, v8;
	v35 =	vld [tilespmem:s21+$0xC160]  }
0xfe: {  	v4 =	vmul.f32 v4, v4;
	v11 =	vadd.f32 v20, v18;
	v6 =	vmul.f32 v6, v6;
	v36 =	vld [tilespmem:s21+$0x4170]  }
0xff: {  	v16 =	vadd.f32 v19, v16;
	v12 =	vmul.f32 v12, v12;
	v18 =	vmul.f32 v22, v22;
	v19 =	vld [tilespmem:s21+$0xC170]  }
0x100: {  	v9 =	vadd.f32 v9, v15;
	v7 =	vadd.f32 v5, v7;
	v15 =	vld [tilespmem:s21+$0x4500]  }
0x101: {  	v4 =	vadd.f32 v6, v4;
	v6 =	vadd.f32 v18, v12;
	v37 =	vld [tilespmem:s21+$0xC500]  }
0x102: {  	v8 =	vadd.f32 v8, v10;
	v10 =	vadd.f32 v16, v11;
	v5 =	vld [tilespmem:s21+$0x4510]  }
0x103: {  	v7 =	vadd.f32 v7, v9;
	v4 =	vadd.f32 v6, v4;
	v9 =	vld [tilespmem:s21+$0xC510]  }
0x104: {  	v6 =	vld [tilespmem:s21+$0x4520]  }
0x105: {  	v8 =	vadd.f32 v10, v8;
	v4 =	vadd.f32 v4, v7;
	v12 =	vld [tilespmem:s21+$0xC520]  }
0x106: {  	v7 =	vld [tilespmem:s21+$0x4530]  }
0x107: {  	v8 =	vadd.f32 v4, v8;
	v10 =	vld [tilespmem:s21+$0xC530]  }
0x108: {  	v4 =	vld [tilespmem:s21+$0x4540]  }
0x109: {  	v3 =	vadd.f32 v8, v3;
	v11 =	vld [tilespmem:s21+$0xC540];
	v22 =	vsub.f32 v27, v28  }
0x10a: {  	v8 =	vld [tilespmem:s21+$0x4550];
	v24 =	vsub.f32 v29, v30;
	v21 =	vsub.f32 v31, v32  }
0x10b: {  	v16 =	vld [tilespmem:s21+$0xC560];
	v23 =	vsub.f32 v13, v33;
	v18 =	vsub.f32 v34, v14  }
0x10c: {  	v14 =	vld [tilespmem:s21+$0xC550];
	v20 =	vsub.f32 v17, v25;
	v17 =	vsub.f32 v26, v35  }
0x10d: {  	s22 =	simm.s32 $0x100;
	s6 =	simm.s32 $0x80;
	v13 =	vld [tilespmem:s21+$0x4560];
	v19 =	vsub.f32 v36, v19;
	v15 =	vsub.f32 v15, v37  }
.LBB2_4:
0x10e: {  	s7 =	sand.u32 $0x3800, s22;
	s23 =	sand.u32 $0x380, s6;
	p0 =	sne.s32 s22, $0x3F00;
	v22 =	vmul.f32 v22, v22;
	v24 =	vmul.f32 v24, v24;
	v5 =	vsub.f32 v5, v9;
	v9 =	vld [tilespmem:s21+$0x4570]  }
0x10f: {  	v21 =	vmul.f32 v21, v21;
	v23 =	vmul.f32 v23, v23;
	v6 =	vsub.f32 v6, v12;
	v12 =	vld [tilespmem:s21+$0xC570];
	s21 =	sor.u32 s23, s7  }
0x110: {  	v18 =	vmul.f32 v18, v18;
	v20 =	vmul.f32 v20, v20;
	v7 =	vsub.f32 v7, v10;
	v25 =	vld [tilespmem:s21+$0x4100]  }
0x111: {  	v10 =	vmul.f32 v17, v17;
	v4 =	vsub.f32 v4, v11;
	v17 =	vmul.f32 v19, v19;
	v26 =	vld [tilespmem:s21+$0xC100]  }
0x112: {  	v11 =	vmul.f32 v15, v15;
	v5 =	vmul.f32 v5, v5;
	v8 =	vsub.f32 v8, v14;
	v19 =	vld [tilespmem:s21+$0x4110]  }
0x113: {  	v6 =	vmul.f32 v6, v6;
	v7 =	vmul.f32 v7, v7;
	v13 =	vsub.f32 v13, v16;
	v14 =	vld [tilespmem:s21+$0xC110]  }
0x114: {  	v4 =	vmul.f32 v4, v4;
	v8 =	vmul.f32 v8, v8;
	v15 =	vld [tilespmem:s21+$0x4120];
	v9 =	vsub.f32 v9, v12  }
0x115: {  	v21 =	vadd.f32 v23, v21;
	v12 =	vmul.f32 v13, v13;
	v13 =	vadd.f32 v24, v22;
	v16 =	vld [tilespmem:s21+$0xC120]  }
0x116: {  	v18 =	vadd.f32 v20, v18;
	v10 =	vadd.f32 v17, v10;
	v23 =	vld [tilespmem:s21+$0x4130];
	v9 =	vmul.f32 v9, v9  }
0x117: {  	v5 =	vadd.f32 v5, v11;
	v6 =	vadd.f32 v7, v6;
	v17 =	vld [tilespmem:s21+$0xC130]  }
0x118: {  	v4 =	vadd.f32 v8, v4;
	v20 =	vld [tilespmem:s21+$0x4140];
	v7 =	vadd.f32 v9, v12  }
0x119: {  	v8 =	vadd.f32 v21, v13;
	v9 =	vadd.f32 v10, v18;
	v27 =	vld [tilespmem:s21+$0xC140]  }
0x11a: {  	v5 =	vadd.f32 v6, v5;
	v13 =	vld [tilespmem:s21+$0x4150];
	v4 =	vadd.f32 v7, v4  }
0x11b: {  	v28 =	vld [tilespmem:s21+$0xC150]  }
0x11c: {  	v6 =	vadd.f32 v9, v8;
	v29 =	vld [tilespmem:s21+$0x4160];
	v4 =	vadd.f32 v4, v5  }
0x11d: {  	v30 =	vld [tilespmem:s21+$0xC160]  }
0x11e: {  	v31 =	vld [tilespmem:s21+$0x4170];
	v4 =	vadd.f32 v4, v6  }
0x11f: {  	v32 =	vld [tilespmem:s21+$0xC170]  }
0x120: {  	v33 =	vld [tilespmem:s21+$0x4500];
	v3 =	vadd.f32 v4, v3  }
0x121: {  	v34 =	vld [tilespmem:s21+$0xC500]  }
0x122: {  	v5 =	vld [tilespmem:s21+$0x4510]  }
0x123: {  	v9 =	vld [tilespmem:s21+$0xC510]  }
0x124: {  	v6 =	vld [tilespmem:s21+$0x4520]  }
0x125: {  	v12 =	vld [tilespmem:s21+$0xC520]  }
0x126: {  	v7 =	vld [tilespmem:s21+$0x4530]  }
0x127: {  	v10 =	vld [tilespmem:s21+$0xC530]  }
0x128: {  	v4 =	vld [tilespmem:s21+$0x4540]  }
.Ltmp1:
0x129: {  	v22 =	vsub.f32 v25, v26;
	v11 =	vld [tilespmem:s21+$0xC540];
	(pc) =	sbr.rel @p0 .LBB2_4-.Ltmp1, $4  }
0x12a: {  	v24 =	vsub.f32 v19, v14;
	v21 =	vsub.f32 v15, v16;
	v8 =	vld [tilespmem:s21+$0x4550]  }
0x12b: {  	v23 =	vsub.f32 v23, v17;
	v18 =	vsub.f32 v20, v27;
	v14 =	vld [tilespmem:s21+$0xC550]  }
0x12c: {  	v20 =	vsub.f32 v13, v28;
	v17 =	vsub.f32 v29, v30;
	v13 =	vld [tilespmem:s21+$0x4560]  }
0x12d: {  	s6 =	sadd.s32 $0x80, s6;
	s22 =	sadd.s32 $0x100, s22;
	v19 =	vsub.f32 v31, v32;
	v15 =	vsub.f32 v33, v34;
	v16 =	vld [tilespmem:s21+$0xC560]  }
0x12e: {  	v25 =	vld [tilespmem:s21+$0x4570];
	s6 =	simm.s32 $0x0  }
0x12f: {  	v26 =	vld [tilespmem:s21+$0xC570];
	[hbm4b:s9+s6] =	stream.linear.scatter [tilespmem:s28], [sflag:$0x5], $0x4000, $0x38  }
0x130: {  	_ =	swait.ge [sflag:s15], $0x4000  }
0x131: {  	[sflag:s15] =	ssyncset.done $0x0  }
0x132: {  	[sflag:s15] =	ssyncadd.s32 $0xFFFFC000  }
0x133: {  	_ =	swait.ge [sflag:s25], $0x4000  }
0x134: {  	[sflag:s25] =	ssyncset.done $0x0  }
0x135: {  	[sflag:s25] =	ssyncadd.s32 $0xFFFFC000  }
0x136: {  	_ =	swait.ge [sflag:s26], $0x4000  }
0x137: {  	[sflag:s26] =	ssyncset.done $0x0  }
0x138: {  	[sflag:s26] =	ssyncadd.s32 $0xFFFFC000  }
0x139: {  	v27 =	vld [tilespmem:$0xC0];
	_ =	sdelay $0x4  }
0x13a: {  	v28 =	vshll.u32 v27, $0x1  }
0x13b: {  	v27 =	vand.u32 $0x7, v27;
	v28 =	vand.u32 $0xFFFFFFF0, v28  }
0x13c: {  	v27 =	vor.u32 v27, v28  }
0x13d: {  	v28 =	vperm.xlane v27, v0;
	_ =	sdelay $0x1  }
0x13e: {  	v27 =	vperm.xlane v27, v2;
	v28 =	vadd.s32 v1, v28;
	_ =	sdelay $0x1  }
0x13f: {  	v27 =	vadd.s32 v1, v27;
	_ =	sdelay $0x2  }
0x140: {  	[tilespmem:s28], [sflag:$0x2] =	stream.indirect_vreg.gather [hbm4b:s1+s6], $0x80, v28, vm0, $0xb8;
	[tilespmem:$0x10180] =	vst v63  }
0x141: {  	_ = 	snop  }
0x142: {  	[tilespmem:s29], [sflag:$0x2] =	stream.indirect_vreg.gather [hbm4b:s1+s6], $0x80, v27, vm0, $0xb8;
	[tilespmem:$0x10180] =	vst v63  }
0x143: {  	v27 =	vld [tilespmem:$0xD0];
	_ =	sdelay $0x4  }
0x144: {  	v61 =	vshll.u32 v27, $0x1  }
0x145: {  	v27 =	vand.u32 $0x7, v27;
	v28 =	vand.u32 $0xFFFFFFF0, v61  }
0x146: {  	v27 =	vor.u32 v27, v28  }
0x147: {  	v28 =	vperm.xlane v27, v0;
	_ =	sdelay $0x1  }
0x148: {  	v27 =	vperm.xlane v27, v2;
	v28 =	vadd.s32 v1, v28;
	_ =	sdelay $0x1  }
0x149: {  	v27 =	vadd.s32 v1, v27;
	_ =	sdelay $0x2  }
0x14a: {  	[tilespmem:s30], [sflag:$0x2] =	stream.indirect_vreg.gather [hbm4b:s1+s6], $0x80, v28, vm0, $0xb8;
	[tilespmem:$0x10180] =	vst v63  }
0x14b: {  	_ = 	snop  }
0x14c: {  	[tilespmem:s31], [sflag:$0x2] =	stream.indirect_vreg.gather [hbm4b:s1+s6], $0x80, v27, vm0, $0xb8;
	[tilespmem:$0x10180] =	vst v63  }
0x14d: {  	v27 =	vld [tilespmem:$0xE0];
	_ =	sdelay $0x4  }
0x14e: {  	v62 =	vshll.u32 v27, $0x1  }
0x14f: {  	v27 =	vand.u32 $0x7, v27;
	v28 =	vand.u32 $0xFFFFFFF0, v62  }
0x150: {  	v27 =	vor.u32 v27, v28  }
0x151: {  	v28 =	vperm.xlane v27, v0;
	_ =	sdelay $0x1  }
0x152: {  	v27 =	vperm.xlane v27, v2;
	v28 =	vadd.s32 v1, v28;
	_ =	sdelay $0x1  }
0x153: {  	v27 =	vadd.s32 v1, v27;
	_ =	sdelay $0x2  }
0x154: {  	[tilespmem:s0], [sflag:$0x2] =	stream.indirect_vreg.gather [hbm4b:s1+s6], $0x80, v28, vm0, $0xb8;
	[tilespmem:$0x10180] =	vst v63  }
0x155: {  	_ = 	snop  }
0x156: {  	[tilespmem:s2], [sflag:$0x2] =	stream.indirect_vreg.gather [hbm4b:s1+s6], $0x80, v27, vm0, $0xb8;
	[tilespmem:$0x10180] =	vst v63  }
0x157: {  	v27 =	vld [tilespmem:$0xF0];
	_ =	sdelay $0x4  }
0x158: {  	v63 =	vshll.u32 v27, $0x1  }
0x159: {  	v27 =	vand.u32 $0x7, v27;
	v28 =	vand.u32 $0xFFFFFFF0, v63  }
0x15a: {  	v27 =	vor.u32 v27, v28  }
0x15b: {  	v28 =	vperm.xlane v27, v0;
	_ =	sdelay $0x1  }
0x15c: {  	v27 =	vperm.xlane v27, v2;
	v28 =	vadd.s32 v1, v28;
	_ =	sdelay $0x1  }
0x15d: {  	v27 =	vadd.s32 v1, v27;
	_ =	sdelay $0x2  }
0x15e: {  	[tilespmem:s17], [sflag:$0x2] =	stream.indirect_vreg.gather [hbm4b:s1+s6], $0x80, v28, vm0, $0xb8;
	[tilespmem:$0x10180] =	vst v63  }
0x15f: {  	_ = 	snop  }
0x160: {  	[tilespmem:s18], [sflag:$0x2] =	stream.indirect_vreg.gather [hbm4b:s1+s6], $0x80, v27, vm0, $0xb8;
	[tilespmem:$0x10180] =	vst v63  }
0x161: {  	_ = 	snop  }
0x162: {  	[tilespmem:s4], [sflag:$0x4] =	stream.linear.gather [hbm4b:s10+s6], $0x4000, $0x38;
	[tilespmem:$0x10180] =	vst v63  }
0x163: {  	s7 =	sand.u32 $0x3800, s6;
	s6 =	sand.u32 $0x380, s6  }
0x164: {  	s21 =	sor.u32 s6, s7  }
0x165: {  	v27 =	vld [tilespmem:s21+$0x100]  }
0x166: {  	v28 =	vld [tilespmem:s21+$0x8100]  }
0x167: {  	v29 =	vld [tilespmem:s21+$0x110]  }
0x168: {  	v30 =	vld [tilespmem:s21+$0x8110]  }
0x169: {  	v31 =	vld [tilespmem:s21+$0x120]  }
0x16a: {  	v32 =	vld [tilespmem:s21+$0x8120]  }
0x16b: {  	v5 =	vsub.f32 v5, v9;
	v33 =	vld [tilespmem:s21+$0x130]  }
0x16c: {  	v6 =	vsub.f32 v6, v12;
	v7 =	vsub.f32 v7, v10;
	v34 =	vld [tilespmem:s21+$0x8130]  }
0x16d: {  	v9 =	vmul.f32 v22, v22;
	v10 =	vmul.f32 v24, v24;
	v4 =	vsub.f32 v4, v11;
	v35 =	vld [tilespmem:s21+$0x140]  }
0x16e: {  	v11 =	vmul.f32 v21, v21;
	v12 =	vmul.f32 v23, v23;
	v8 =	vsub.f32 v8, v14;
	v14 =	vld [tilespmem:s21+$0x8140]  }
0x16f: {  	v18 =	vmul.f32 v18, v18;
	v20 =	vmul.f32 v20, v20;
	v13 =	vsub.f32 v13, v16;
	v16 =	vld [tilespmem:s21+$0x150]  }
0x170: {  	v17 =	vmul.f32 v17, v17;
	v19 =	vmul.f32 v19, v19;
	v21 =	vsub.f32 v25, v26;
	v25 =	vld [tilespmem:s21+$0x8150]  }
0x171: {  	v15 =	vmul.f32 v15, v15;
	v5 =	vmul.f32 v5, v5;
	v9 =	vadd.f32 v10, v9;
	v26 =	vld [tilespmem:s21+$0x160]  }
0x172: {  	v6 =	vmul.f32 v6, v6;
	v7 =	vmul.f32 v7, v7;
	v10 =	vadd.f32 v12, v11;
	v36 =	vld [tilespmem:s21+$0x8160]  }
0x173: {  	v4 =	vmul.f32 v4, v4;
	v11 =	vadd.f32 v20, v18;
	v8 =	vmul.f32 v8, v8;
	v37 =	vld [tilespmem:s21+$0x170]  }
0x174: {  	v17 =	vadd.f32 v19, v17;
	v12 =	vmul.f32 v13, v13;
	v13 =	vmul.f32 v21, v21;
	v19 =	vld [tilespmem:s21+$0x8170]  }
0x175: {  	v15 =	vadd.f32 v5, v15;
	v6 =	vadd.f32 v7, v6;
	v38 =	vld [tilespmem:s21+$0x500]  }
0x176: {  	v4 =	vadd.f32 v8, v4;
	v7 =	vadd.f32 v13, v12;
	v39 =	vld [tilespmem:s21+$0x8500]  }
0x177: {  	v8 =	vadd.f32 v10, v9;
	v10 =	vadd.f32 v17, v11;
	v5 =	vld [tilespmem:s21+$0x510]  }
0x178: {  	v11 =	vadd.f32 v6, v15;
	v4 =	vadd.f32 v7, v4;
	v9 =	vld [tilespmem:s21+$0x8510]  }
0x179: {  	v6 =	vld [tilespmem:s21+$0x520]  }
0x17a: {  	v8 =	vadd.f32 v10, v8;
	v4 =	vadd.f32 v4, v11;
	v12 =	vld [tilespmem:s21+$0x8520]  }
0x17b: {  	v7 =	vld [tilespmem:s21+$0x530]  }
0x17c: {  	v8 =	vadd.f32 v4, v8;
	v10 =	vld [tilespmem:s21+$0x8530]  }
0x17d: {  	v4 =	vld [tilespmem:s21+$0x540]  }
0x17e: {  	v3 =	vadd.f32 v8, v3;
	v11 =	vld [tilespmem:s21+$0x8540];
	v22 =	vsub.f32 v27, v28  }
0x17f: {  	v8 =	vld [tilespmem:s21+$0x550];
	v24 =	vsub.f32 v29, v30;
	v21 =	vsub.f32 v31, v32  }
0x180: {  	v13 =	vld [tilespmem:s21+$0x560];
	v23 =	vsub.f32 v33, v34;
	v18 =	vsub.f32 v35, v14  }
0x181: {  	v14 =	vld [tilespmem:s21+$0x8550];
	v20 =	vsub.f32 v16, v25;
	v17 =	vsub.f32 v26, v36  }
0x182: {  	s22 =	simm.s32 $0x100;
	s6 =	simm.s32 $0x80;
	v19 =	vsub.f32 v37, v19;
	v15 =	vsub.f32 v38, v39;
	v16 =	vld [tilespmem:s21+$0x8560]  }
.LBB2_6:
0x183: {  	s7 =	sand.u32 $0x3800, s22;
	s23 =	sand.u32 $0x380, s6;
	p0 =	sne.s32 s22, $0x3F00;
	v22 =	vmul.f32 v22, v22;
	v24 =	vmul.f32 v24, v24;
	v5 =	vsub.f32 v5, v9;
	v9 =	vld [tilespmem:s21+$0x570]  }
0x184: {  	v21 =	vmul.f32 v21, v21;
	v23 =	vmul.f32 v23, v23;
	v6 =	vsub.f32 v6, v12;
	v12 =	vld [tilespmem:s21+$0x8570];
	s21 =	sor.u32 s23, s7  }
0x185: {  	v18 =	vmul.f32 v18, v18;
	v20 =	vmul.f32 v20, v20;
	v7 =	vsub.f32 v7, v10;
	v25 =	vld [tilespmem:s21+$0x100]  }
0x186: {  	v10 =	vmul.f32 v17, v17;
	v4 =	vsub.f32 v4, v11;
	v17 =	vmul.f32 v19, v19;
	v26 =	vld [tilespmem:s21+$0x8100]  }
0x187: {  	v11 =	vmul.f32 v15, v15;
	v5 =	vmul.f32 v5, v5;
	v8 =	vsub.f32 v8, v14;
	v19 =	vld [tilespmem:s21+$0x110]  }
0x188: {  	v6 =	vmul.f32 v6, v6;
	v7 =	vmul.f32 v7, v7;
	v13 =	vsub.f32 v13, v16;
	v14 =	vld [tilespmem:s21+$0x8110]  }
0x189: {  	v4 =	vmul.f32 v4, v4;
	v8 =	vmul.f32 v8, v8;
	v15 =	vld [tilespmem:s21+$0x120];
	v9 =	vsub.f32 v9, v12  }
0x18a: {  	v21 =	vadd.f32 v23, v21;
	v12 =	vmul.f32 v13, v13;
	v13 =	vadd.f32 v24, v22;
	v16 =	vld [tilespmem:s21+$0x8120]  }
0x18b: {  	v18 =	vadd.f32 v20, v18;
	v10 =	vadd.f32 v17, v10;
	v23 =	vld [tilespmem:s21+$0x130];
	v9 =	vmul.f32 v9, v9  }
0x18c: {  	v5 =	vadd.f32 v5, v11;
	v6 =	vadd.f32 v7, v6;
	v17 =	vld [tilespmem:s21+$0x8130]  }
0x18d: {  	v4 =	vadd.f32 v8, v4;
	v20 =	vld [tilespmem:s21+$0x140];
	v7 =	vadd.f32 v9, v12  }
0x18e: {  	v8 =	vadd.f32 v21, v13;
	v9 =	vadd.f32 v10, v18;
	v27 =	vld [tilespmem:s21+$0x8140]  }
0x18f: {  	v5 =	vadd.f32 v6, v5;
	v13 =	vld [tilespmem:s21+$0x150];
	v4 =	vadd.f32 v7, v4  }
0x190: {  	v28 =	vld [tilespmem:s21+$0x8150]  }
0x191: {  	v6 =	vadd.f32 v9, v8;
	v29 =	vld [tilespmem:s21+$0x160];
	v4 =	vadd.f32 v4, v5  }
0x192: {  	v30 =	vld [tilespmem:s21+$0x8160]  }
0x193: {  	v31 =	vld [tilespmem:s21+$0x170];
	v4 =	vadd.f32 v4, v6  }
0x194: {  	v32 =	vld [tilespmem:s21+$0x8170]  }
0x195: {  	v33 =	vld [tilespmem:s21+$0x500];
	v3 =	vadd.f32 v4, v3  }
0x196: {  	v34 =	vld [tilespmem:s21+$0x8500]  }
0x197: {  	v5 =	vld [tilespmem:s21+$0x510]  }
0x198: {  	v9 =	vld [tilespmem:s21+$0x8510]  }
0x199: {  	v6 =	vld [tilespmem:s21+$0x520]  }
0x19a: {  	v12 =	vld [tilespmem:s21+$0x8520]  }
0x19b: {  	v7 =	vld [tilespmem:s21+$0x530]  }
0x19c: {  	v10 =	vld [tilespmem:s21+$0x8530]  }
0x19d: {  	v4 =	vld [tilespmem:s21+$0x540]  }
.Ltmp2:
0x19e: {  	v22 =	vsub.f32 v25, v26;
	v11 =	vld [tilespmem:s21+$0x8540];
	(pc) =	sbr.rel @p0 .LBB2_6-.Ltmp2, $4  }
0x19f: {  	v24 =	vsub.f32 v19, v14;
	v21 =	vsub.f32 v15, v16;
	v8 =	vld [tilespmem:s21+$0x550]  }
0x1a0: {  	v23 =	vsub.f32 v23, v17;
	v18 =	vsub.f32 v20, v27;
	v14 =	vld [tilespmem:s21+$0x8550]  }
0x1a1: {  	v20 =	vsub.f32 v13, v28;
	v17 =	vsub.f32 v29, v30;
	v13 =	vld [tilespmem:s21+$0x560]  }
0x1a2: {  	s6 =	sadd.s32 $0x80, s6;
	s22 =	sadd.s32 $0x100, s22;
	v19 =	vsub.f32 v31, v32;
	v15 =	vsub.f32 v33, v34;
	v16 =	vld [tilespmem:s21+$0x8560]  }
0x1a3: {  	v25 =	vld [tilespmem:s21+$0x570];
	s6 =	simm.s32 $0x0  }
0x1a4: {  	v26 =	vld [tilespmem:s21+$0x8570];
	[hbm4b:s11+s6] =	stream.linear.scatter [tilespmem:s16], [sflag:$0x5], $0x4000, $0x38  }
0x1a5: {  	_ =	swait.ge [sflag:s15], $0x4000  }
0x1a6: {  	[sflag:s15] =	ssyncset.done $0x0  }
0x1a7: {  	[sflag:s15] =	ssyncadd.s32 $0xFFFFC000  }
0x1a8: {  	_ =	swait.ge [sflag:s19], $0x4000  }
0x1a9: {  	[sflag:s19] =	ssyncset.done $0x0  }
0x1aa: {  	[sflag:s19] =	ssyncadd.s32 $0xFFFFC000  }
0x1ab: {  	_ =	swait.ge [sflag:s5], $0x4000  }
0x1ac: {  	s7 =	sand.u32 $0x3800, s6;
	s6 =	sand.u32 $0x380, s6;
	[sflag:s5] =	ssyncset.done $0x0  }
0x1ad: {  	s21 =	sor.u32 s6, s7;
	[sflag:s5] =	ssyncadd.s32 $0xFFFFC000  }
0x1ae: {  	v27 =	vld [tilespmem:s21+$0x4100]  }
0x1af: {  	v28 =	vld [tilespmem:s21+$0xC100]  }
0x1b0: {  	v29 =	vld [tilespmem:s21+$0x4110]  }
0x1b1: {  	v30 =	vld [tilespmem:s21+$0xC110]  }
0x1b2: {  	v31 =	vld [tilespmem:s21+$0x4120]  }
0x1b3: {  	v32 =	vld [tilespmem:s21+$0xC120]  }
0x1b4: {  	v33 =	vld [tilespmem:s21+$0x4130]  }
0x1b5: {  	v5 =	vsub.f32 v5, v9;
	v34 =	vld [tilespmem:s21+$0xC130]  }
0x1b6: {  	v6 =	vsub.f32 v6, v12;
	v7 =	vsub.f32 v7, v10;
	v9 =	vmul.f32 v22, v22;
	v35 =	vld [tilespmem:s21+$0x4140]  }
0x1b7: {  	v10 =	vmul.f32 v24, v24;
	v4 =	vsub.f32 v4, v11;
	v8 =	vsub.f32 v8, v14;
	v14 =	vld [tilespmem:s21+$0xC140]  }
0x1b8: {  	v11 =	vmul.f32 v21, v21;
	v12 =	vmul.f32 v23, v23;
	v13 =	vsub.f32 v13, v16;
	v16 =	vld [tilespmem:s21+$0x4150]  }
0x1b9: {  	v18 =	vmul.f32 v18, v18;
	v20 =	vmul.f32 v20, v20;
	v21 =	vsub.f32 v25, v26;
	v25 =	vld [tilespmem:s21+$0xC150]  }
0x1ba: {  	v17 =	vmul.f32 v17, v17;
	v19 =	vmul.f32 v19, v19;
	v26 =	vld [tilespmem:s21+$0x4160]  }
0x1bb: {  	v15 =	vmul.f32 v15, v15;
	v5 =	vmul.f32 v5, v5;
	v9 =	vadd.f32 v10, v9;
	v36 =	vld [tilespmem:s21+$0xC160]  }
0x1bc: {  	v6 =	vmul.f32 v6, v6;
	v7 =	vmul.f32 v7, v7;
	v10 =	vadd.f32 v12, v11;
	v37 =	vld [tilespmem:s21+$0x4170]  }
0x1bd: {  	v4 =	vmul.f32 v4, v4;
	v17 =	vadd.f32 v19, v17;
	v8 =	vmul.f32 v8, v8;
	v19 =	vld [tilespmem:s21+$0xC170]  }
0x1be: {  	v5 =	vadd.f32 v5, v15;
	v12 =	vmul.f32 v13, v13;
	v13 =	vmul.f32 v21, v21;
	v15 =	vld [tilespmem:s21+$0x4500]  }
0x1bf: {  	v11 =	vadd.f32 v20, v18;
	v6 =	vadd.f32 v7, v6;
	v38 =	vld [tilespmem:s21+$0xC500]  }
0x1c0: {  	v4 =	vadd.f32 v8, v4;
	v8 =	vadd.f32 v13, v12;
	v7 =	vld [tilespmem:s21+$0x4510]  }
0x1c1: {  	v9 =	vadd.f32 v10, v9;
	v10 =	vadd.f32 v17, v11;
	v12 =	vld [tilespmem:s21+$0xC510]  }
0x1c2: {  	v5 =	vadd.f32 v6, v5;
	v4 =	vadd.f32 v8, v4;
	v6 =	vld [tilespmem:s21+$0x4520]  }
0x1c3: {  	v11 =	vld [tilespmem:s21+$0xC520]  }
0x1c4: {  	v8 =	vadd.f32 v10, v9;
	v10 =	vld [tilespmem:s21+$0xC540];
	v4 =	vadd.f32 v4, v5  }
0x1c5: {  	v13 =	vld [tilespmem:s21+$0x4560]  }
0x1c6: {  	v5 =	vld [tilespmem:s21+$0x4530];
	v9 =	vadd.f32 v4, v8  }
0x1c7: {  	v8 =	vld [tilespmem:s21+$0xC530];
	v22 =	vsub.f32 v27, v28;
	v24 =	vsub.f32 v29, v30  }
0x1c8: {  	v4 =	vld [tilespmem:s21+$0x4540];
	v21 =	vsub.f32 v31, v32;
	v23 =	vsub.f32 v33, v34  }
0x1c9: {  	v18 =	vsub.f32 v35, v14;
	v14 =	vld [tilespmem:s21+$0xC550];
	v20 =	vsub.f32 v16, v25  }
0x1ca: {  	v17 =	vsub.f32 v26, v36;
	v16 =	vsub.f32 v15, v38;
	v15 =	vld [tilespmem:s21+$0xC560]  }
0x1cb: {  	s22 =	simm.s32 $0x100;
	s6 =	simm.s32 $0x80;
	v19 =	vsub.f32 v37, v19;
	v3 =	vadd.f32 v9, v3;
	v9 =	vld [tilespmem:s21+$0x4550]  }
.LBB2_8:
0x1cc: {  	s7 =	sand.u32 $0x3800, s22;
	s23 =	sand.u32 $0x380, s6;
	p0 =	sne.s32 s22, $0x3F00;
	v22 =	vmul.f32 v22, v22;
	v24 =	vmul.f32 v24, v24;
	v7 =	vsub.f32 v7, v12;
	v12 =	vld [tilespmem:s21+$0x4570]  }
0x1cd: {  	v21 =	vmul.f32 v21, v21;
	v23 =	vmul.f32 v23, v23;
	v6 =	vsub.f32 v6, v11;
	v11 =	vld [tilespmem:s21+$0xC570];
	s21 =	sor.u32 s23, s7  }
0x1ce: {  	v18 =	vmul.f32 v18, v18;
	v20 =	vmul.f32 v20, v20;
	v5 =	vsub.f32 v5, v8;
	v25 =	vld [tilespmem:s21+$0x4100]  }
0x1cf: {  	v8 =	vmul.f32 v17, v17;
	v4 =	vsub.f32 v4, v10;
	v17 =	vmul.f32 v19, v19;
	v26 =	vld [tilespmem:s21+$0xC100]  }
0x1d0: {  	v10 =	vmul.f32 v16, v16;
	v7 =	vmul.f32 v7, v7;
	v9 =	vsub.f32 v9, v14;
	v19 =	vld [tilespmem:s21+$0x4110]  }
0x1d1: {  	v6 =	vmul.f32 v6, v6;
	v5 =	vmul.f32 v5, v5;
	v13 =	vsub.f32 v13, v15;
	v14 =	vld [tilespmem:s21+$0xC110]  }
0x1d2: {  	v4 =	vmul.f32 v4, v4;
	v9 =	vmul.f32 v9, v9;
	v15 =	vld [tilespmem:s21+$0x4120];
	v11 =	vsub.f32 v12, v11  }
0x1d3: {  	v21 =	vadd.f32 v23, v21;
	v12 =	vmul.f32 v13, v13;
	v13 =	vadd.f32 v24, v22;
	v16 =	vld [tilespmem:s21+$0xC120]  }
0x1d4: {  	v18 =	vadd.f32 v20, v18;
	v8 =	vadd.f32 v17, v8;
	v23 =	vld [tilespmem:s21+$0x4130];
	v11 =	vmul.f32 v11, v11  }
0x1d5: {  	v7 =	vadd.f32 v7, v10;
	v5 =	vadd.f32 v5, v6;
	v17 =	vld [tilespmem:s21+$0xC130]  }
0x1d6: {  	v4 =	vadd.f32 v9, v4;
	v20 =	vld [tilespmem:s21+$0x4140];
	v6 =	vadd.f32 v11, v12  }
0x1d7: {  	v8 =	vadd.f32 v8, v18;
	v9 =	vadd.f32 v21, v13;
	v27 =	vld [tilespmem:s21+$0xC140]  }
0x1d8: {  	v5 =	vadd.f32 v5, v7;
	v13 =	vld [tilespmem:s21+$0x4150];
	v4 =	vadd.f32 v6, v4  }
0x1d9: {  	v28 =	vld [tilespmem:s21+$0xC150]  }
0x1da: {  	v6 =	vadd.f32 v8, v9;
	v29 =	vld [tilespmem:s21+$0x4160];
	v4 =	vadd.f32 v4, v5  }
0x1db: {  	v30 =	vld [tilespmem:s21+$0xC160]  }
0x1dc: {  	v31 =	vld [tilespmem:s21+$0x4170];
	v4 =	vadd.f32 v4, v6  }
0x1dd: {  	v32 =	vld [tilespmem:s21+$0xC170]  }
0x1de: {  	v33 =	vld [tilespmem:s21+$0x4500];
	v3 =	vadd.f32 v4, v3  }
0x1df: {  	v34 =	vld [tilespmem:s21+$0xC500]  }
0x1e0: {  	v7 =	vld [tilespmem:s21+$0x4510]  }
0x1e1: {  	v12 =	vld [tilespmem:s21+$0xC510]  }
0x1e2: {  	v6 =	vld [tilespmem:s21+$0x4520]  }
0x1e3: {  	v11 =	vld [tilespmem:s21+$0xC520]  }
0x1e4: {  	v5 =	vld [tilespmem:s21+$0x4530]  }
0x1e5: {  	v8 =	vld [tilespmem:s21+$0xC530]  }
0x1e6: {  	v4 =	vld [tilespmem:s21+$0x4540]  }
.Ltmp3:
0x1e7: {  	v22 =	vsub.f32 v25, v26;
	v10 =	vld [tilespmem:s21+$0xC540];
	(pc) =	sbr.rel @p0 .LBB2_8-.Ltmp3, $4  }
0x1e8: {  	v24 =	vsub.f32 v19, v14;
	v21 =	vsub.f32 v15, v16;
	v9 =	vld [tilespmem:s21+$0x4550]  }
0x1e9: {  	v23 =	vsub.f32 v23, v17;
	v18 =	vsub.f32 v20, v27;
	v14 =	vld [tilespmem:s21+$0xC550]  }
0x1ea: {  	v20 =	vsub.f32 v13, v28;
	v17 =	vsub.f32 v29, v30;
	v13 =	vld [tilespmem:s21+$0x4560]  }
0x1eb: {  	s6 =	sadd.s32 $0x80, s6;
	s22 =	sadd.s32 $0x100, s22;
	v19 =	vsub.f32 v31, v32;
	v16 =	vsub.f32 v33, v34;
	v15 =	vld [tilespmem:s21+$0xC560]  }
0x1ec: {  	v22 =	vmul.f32 v22, v22;
	v24 =	vmul.f32 v24, v24;
	v7 =	vsub.f32 v7, v12;
	v52 =	vld [tilespmem:s21+$0x4570]  }
0x1ed: {  	v21 =	vmul.f32 v21, v21;
	v23 =	vmul.f32 v23, v23;
	v6 =	vsub.f32 v6, v11;
	v53 =	vld [tilespmem:s21+$0xC570]  }
0x1ee: {  	v18 =	vmul.f32 v18, v18;
	v20 =	vmul.f32 v20, v20;
	v5 =	vsub.f32 v5, v8  }
0x1ef: {  	v54 =	vmul.f32 v17, v17;
	v4 =	vsub.f32 v4, v10;
	v55 =	vmul.f32 v19, v19  }
0x1f0: {  	v56 =	vmul.f32 v16, v16;
	v7 =	vmul.f32 v7, v7;
	v9 =	vsub.f32 v9, v14  }
0x1f1: {  	v6 =	vmul.f32 v6, v6;
	v5 =	vmul.f32 v5, v5;
	v58 =	vadd.f32 v24, v22  }
0x1f2: {  	v4 =	vmul.f32 v4, v4;
	v13 =	vsub.f32 v13, v15;
	v11 =	vsub.f32 v52, v53  }
0x1f3: {  	v59 =	vadd.f32 v23, v21;
	v60 =	vadd.f32 v20, v18;
	v9 =	vmul.f32 v9, v9  }
0x1f4: {  	v8 =	vadd.f32 v55, v54;
	v57 =	vmul.f32 v13, v13;
	v11 =	vmul.f32 v11, v11  }
0x1f5: {  	v7 =	vadd.f32 v7, v56;
	v5 =	vadd.f32 v5, v6  }
0x1f6: {  	v4 =	vadd.f32 v9, v4;
	v61 =	vadd.f32 v11, v57  }
0x1f7: {  	v62 =	vadd.f32 v59, v58;
	v8 =	vadd.f32 v8, v60  }
0x1f8: {  	v5 =	vadd.f32 v5, v7;
	v4 =	vadd.f32 v61, v4;
	_ =	sdelay $0x1  }
0x1f9: {  	v63 =	vadd.f32 v8, v62;
	v4 =	vadd.f32 v4, v5;
	_ =	sdelay $0x1  }
0x1fa: {  	[hbm4b:s12+s3] =	stream.linear.scatter [tilespmem:s28], [sflag:$0x5], $0x4000, $0x38;
	v4 =	vadd.f32 v4, v63;
	[tilespmem:$0x10180] =	vst v63  }
0x1fb: {  	_ =	swait.ge [sflag:s15], $0x4000  }
0x1fc: {  	s20 =	sadd.s32 $0x1, s20;
	[sflag:s15] =	ssyncset.done $0x0;
	v3 =	vadd.f32 v4, v3  }
0x1fd: {  	p0 =	sne.s32 s20, s14;
	[sflag:s15] =	ssyncadd.s32 $0xFFFFC000  }
.Ltmp4:
0x1fe: {  	s6 =	simm.s32 $0x10100;
	[tilespmem:$0x10100] =	vst v3;
	(pc) =	sbr.rel @p0 .LBB2_1-.Ltmp4, $4  }
0x1ff: {  	[hbm4b:s13+s3] =	stream.linear.scatter [tilespmem:s6], [sflag:$0x5], $0x80, $0x38;
	[tilespmem:$0x10180] =	vst v63  }
0x200: {  	_ =	swait.ge [sflag:s15], $0x80  }
0x201: {  	[sflag:s15] =	ssyncset.done $0x0  }
0x202: {  	[sflag:s15] =	ssyncadd.s32 $0xFFFFFF80  }
0x203: {  	_ =	sfence.sel $0x180000  }
0x204: {  	[bflag:$0x0] =	sbarrier.arrive $0xFFFF  }
0x205: {  	_ =	strace $0x90000047  }
0x206: {  	s0 =	stileid.u32;
	[bflag:$0x2] =	sbarrier.arrive $0xFFFF  }
0x207: {  	p0 =	sne.s32 s0, $0x0;
	s0 =	rddreg [dreg:$0x4]  }
0x208: {  	s0 =	sadd.s32 @!p0 $0x100000, s0  }
0x209: {  	[sflag:s0] =	ssyncadd.tile.s32 @!p0 $0x1;
	_ =	shalt  }
.Lfunc_end2:
_tile_overlayer_lowered:
.L_overlay_start_2:
0x20a: {  	(tag) =	ssettag $0x2  }
0x20b: {  	s0 =	rddreg [dreg:$0x0];
	s2 =	stileid.u32  }
0x20c: {  	s1 =	rddreg [dreg:$0x1];
	p0 =	sne.s32 s2, $0x0  }
0x20d: {  	s3 =	rddreg [dreg:$0x2];
	[bflag:$0x3] =	sbarrier.arrive $0xFFFF;
	s2 =	simm.s32 @!p0 $0x1C05  }
0x20e: {  	[timem:s3], [sflag:s2] =	dma.local @!p0 [hbm:s0], s1  }
0x20f: {  	s0 =	simm.s32 @!p0 $0x5  }
0x210: {  	_ =	swait.ge @!p0 [sflag:s0], s1  }
0x211: {  	s1 =	ssub.s32 @!p0 $0x0, s1;
	[sflag:s0] =	ssyncset.done @!p0 $0x0  }
0x212: {  	[sflag:s0] =	ssyncadd.s32 @!p0 s1  }
0x213: {  	[bflag:$0x3] =	sbarrier.arrive $0xFFFF  }
0x214: {  	_ =	shalt  }

</sc_bundles>
